<compile_context>
chip_gen: v7x
topology: tpu7x:2x2x1
jax: 0.10.2.dev20260603
libtpu: 0.0.44.dev20260713+nightly
codegen_flags: <defaults>
</compile_context>

<pallas_src>
import math

import jax
import jax.numpy as jnp
import numpy as np
from jax import lax
from jax.experimental import pallas as pl
from jax.experimental.pallas import tpu as pltpu
from jax.experimental.pallas import tpu_sc as plsc

VOCAB = 1000000
EMB = 64
SEQ = 200
BATCH = 4096

NUM_CORES = 2
NUM_SUBCORES = 16
NUM_WORKERS = NUM_CORES * NUM_SUBCORES

CHUNK = 128
TOTAL = BATCH * SEQ
PER_W = TOTAL // NUM_WORKERS
NCHUNK = PER_W // CHUNK
NBUF = 4
SCALE = math.sqrt(float(EMB))
PE_ROWS = 2 * SEQ


def _positional_encoding_np(max_len, d):
    position = np.arange(max_len)[:, None].astype(np.float32)
    div_term = np.exp(np.arange(0, d, 2).astype(np.float32) * (-np.log(10000.0) / d))
    pe = np.zeros((max_len, d), dtype=np.float32)
    pe[:, 0::2] = np.sin(position * div_term)
    pe[:, 1::2] = np.cos(position * div_term)
    return pe


_PE2 = np.concatenate([_positional_encoding_np(SEQ, EMB)] * 2, axis=0).reshape(-1)


def _sc_kernel(x_hbm, table_hbm, pe_hbm, out_hbm,
               idx_v, in0, in1, in2, in3, ou0, ou1, ou2, ou3, pe_v,
               sg0, sg1, sg2, sg3, ss0, ss1, ss2, ss3):
    ins = (in0, in1, in2, in3)
    outs = (ou0, ou1, ou2, ou3)
    sgs = (sg0, sg1, sg2, sg3)
    sss = (ss0, ss1, ss2, ss3)

    wid = lax.axis_index("s") * NUM_CORES + lax.axis_index("c")
    pltpu.sync_copy(pe_hbm, pe_v)
    pltpu.sync_copy(x_hbm.at[pl.ds(wid * NCHUNK, NCHUNK)], idx_v)
    base = wid * PER_W

    def g_cp(c, b):
        return pltpu.make_async_copy(table_hbm.at[idx_v.at[c]], ins[b], sgs[b])

    def s_cp(c, b):
        dst = out_hbm.at[pl.ds((base + c * CHUNK) * EMB, CHUNK * EMB)]
        return pltpu.make_async_copy(outs[b], dst, sss[b])

    for b in range(NBUF):
        g_cp(b, b).start()

    def quad(g, _):
        for b in range(NBUF):
            c = NBUF * g + b
            g_cp(c, b).wait()

            @pl.when(g >= 1)
            def _():
                s_cp(c - NBUF, b).wait()

            p0 = lax.rem(c * CHUNK, SEQ) * EMB
            i_buf = ins[b]
            o_buf = outs[b]

            @plsc.parallel_loop(0, CHUNK, unroll=4)
            def row(r):
                for d in range(EMB // 16):
                    o_buf[pl.ds(r * EMB + d * 16, 16)] = (
                        i_buf[r, pl.ds(d * 16, 16)] * SCALE
                        + pe_v[pl.ds(p0 + r * EMB + d * 16, 16)])

            @pl.when(g < NCHUNK // NBUF - 1)
            def _():
                g_cp(c + NBUF, b).start()

            s_cp(c, b).start()
        return 0

    lax.fori_loop(0, NCHUNK // NBUF, quad, 0)
    for b in range(NBUF):
        s_cp(NCHUNK - NBUF + b, b).wait()


def _impl(x, table):
    xf = x.reshape(TOTAL // CHUNK, CHUNK)
    mesh = plsc.VectorSubcoreMesh(core_axis_name="c", subcore_axis_name="s")
    out = pl.kernel(
        _sc_kernel,
        out_type=jax.ShapeDtypeStruct((TOTAL * EMB,), jnp.float32),
        mesh=mesh,
        compiler_params=pltpu.CompilerParams(use_tc_tiling_on_sc=False),
        scratch_types=(
            [pltpu.VMEM((NCHUNK, CHUNK), jnp.int32)]
            + [pltpu.VMEM((CHUNK, EMB), jnp.float32) for _ in range(NBUF)]
            + [pltpu.VMEM((CHUNK * EMB,), jnp.float32) for _ in range(NBUF)]
            + [pltpu.VMEM((PE_ROWS * EMB,), jnp.float32)]
            + [pltpu.SemaphoreType.DMA] * (2 * NBUF)
        ),
    )(xf, table, jnp.asarray(_PE2))
    return out.reshape(BATCH, SEQ, EMB)


def kernel(x, table):
    return _impl(x, table)

# --- scband reference (transcript-rebuilt; emitter-appended) ---
"""Pipeline reference for scband-shakespeare-embedding-57458072486492 (READ-ONLY COPY).

The authoritative reference and input builder live on the scoring server;
editing this copy changes nothing except your own understanding.
"""

import jax, jax.numpy as jnp
import numpy as np

VOCAB = 1000000
EMB = 64
MAX_SEQ = 200
BATCH = 4096
SEQ = 200

def _positional_encoding(max_len, d):
    position = np.arange(max_len)[:, None].astype(np.float32)
    div_term = np.exp(np.arange(0, d, 2).astype(np.float32) * (-np.log(10000.0) / d))
    pe = np.zeros((max_len, d), dtype=np.float32)
    pe[:, 0::2] = np.sin(position * div_term)
    pe[:, 1::2] = np.cos(position * div_term)
    return jnp.asarray(pe[None, :, :])

def setup_inputs(seed: int = 0):
    key = jax.random.key(seed)
    k1, k2 = jax.random.split(key)
    x = jax.random.randint(k1, (BATCH, SEQ), 0, VOCAB, dtype=jnp.int32)
    table = jax.random.normal(k2, (VOCAB, EMB), dtype=jnp.float32)
    table = table.at[0].set(0.0)  # padding_idx=0 row zeroed as in nn.Embedding
    return {"x": x, "table": table}

def reference(x, table):
    # ShakespeareEmbedding.forward: word_emb = emb(x) * sqrt(d); out = dropout(word_emb + pe[:, :seq]) with p=0.0 (identity)
    seq_length = x.shape[1]
    scale = jnp.sqrt(jnp.asarray(EMB, dtype=jnp.float32))
    word_emb = jnp.take(table, x, axis=0) * scale
    pos_emb = _positional_encoding(MAX_SEQ, EMB)[:, :seq_length, :]
    return word_emb + pos_emb

if __name__ == "__main__":
    import jax
    _d = setup_inputs()
    print(jax.jit(kernel)(*tuple(_d.values())))

</pallas_src>

<mosaic_0001>
#map = affine_map<(d0, d1) -> (0, 0)>
#map1 = affine_map<(d0, d1) -> (0)>
module attributes {stable_mosaic.version = 14 : i64} {
  func.func @_sc_kernel(%arg0: i32, %arg1: i32, %arg2: memref<6400x128xi32, #tpu.memory_space<hbm>>, %arg3: memref<1000000x64xf32, #tpu.memory_space<hbm>>, %arg4: memref<25600xf32, #tpu.memory_space<hbm>>, %arg5: memref<52428800xf32, #tpu.memory_space<hbm>>, %arg6: memref<200x128xi32, #tpu.memory_space<vmem>>, %arg7: memref<128x64xf32, #tpu.memory_space<vmem>>, %arg8: memref<128x64xf32, #tpu.memory_space<vmem>>, %arg9: memref<128x64xf32, #tpu.memory_space<vmem>>, %arg10: memref<128x64xf32, #tpu.memory_space<vmem>>, %arg11: memref<8192xf32, #tpu.memory_space<vmem>>, %arg12: memref<8192xf32, #tpu.memory_space<vmem>>, %arg13: memref<8192xf32, #tpu.memory_space<vmem>>, %arg14: memref<8192xf32, #tpu.memory_space<vmem>>, %arg15: memref<25600xf32, #tpu.memory_space<vmem>>, %arg16: memref<!tpu.dma_semaphore, #tpu.memory_space<semaphore_mem>>, %arg17: memref<!tpu.dma_semaphore, #tpu.memory_space<semaphore_mem>>, %arg18: memref<!tpu.dma_semaphore, #tpu.memory_space<semaphore_mem>>, %arg19: memref<!tpu.dma_semaphore, #tpu.memory_space<semaphore_mem>>, %arg20: memref<!tpu.dma_semaphore, #tpu.memory_space<semaphore_mem>>, %arg21: memref<!tpu.dma_semaphore, #tpu.memory_space<semaphore_mem>>, %arg22: memref<!tpu.dma_semaphore, #tpu.memory_space<semaphore_mem>>, %arg23: memref<!tpu.dma_semaphore, #tpu.memory_space<semaphore_mem>>) attributes {dimension_semantics = [#tpu.dimension_semantics<core_parallel>, #tpu.dimension_semantics<subcore_parallel>], iteration_bounds = array<i64: 2, 16>, scalar_prefetch = 0 : i64, scratch_operands = 18 : i64, tpu.core_type = #tpu.core_type<sc_vector_subcore>, window_params = [{transform_indices = #map}, {transform_indices = #map}, {transform_indices = #map1}, {transform_indices = #map1}]} {
    %mul3A = arith.constant 2 : i32
    %mul3A_0 = arith.muli %arg1, %mul3A : i32
    %add3A = arith.addi %mul3A_0, %arg0 : i32
    "tpu.region"() ({
      %run_scoped3A = tpu.sem_alloc : memref<!tpu.dma_semaphore, #tpu.memory_space<semaphore_mem>>
      tpu.enqueue_dma source(%arg4 : memref<25600xf32, #tpu.memory_space<hbm>>) target(%arg15 : memref<25600xf32, #tpu.memory_space<vmem>>) target_semaphore(%run_scoped3A : memref<!tpu.dma_semaphore, #tpu.memory_space<semaphore_mem>>)
      tpu.wait_dma2 semaphore(%run_scoped3A : memref<!tpu.dma_semaphore, #tpu.memory_space<semaphore_mem>>) src(%arg4 : memref<25600xf32, #tpu.memory_space<hbm>>) dst(%arg15 : memref<25600xf32, #tpu.memory_space<vmem>>)
      tpu.yield
    }) : () -> ()
    %mul3A_1 = arith.constant 200 : i32
    %mul3A_2 = arith.muli %add3A, %mul3A_1 : i32
    "tpu.region"() ({
      %run_scoped3A = tpu.sem_alloc : memref<!tpu.dma_semaphore, #tpu.memory_space<semaphore_mem>>
      %dma_start3A_61 = arith.constant 0 : i32
      %dma_start3A_62 = tpu.memref_slice %arg2[%mul3A_2, %dma_start3A_61] : memref<6400x128xi32, #tpu.memory_space<hbm>> -> memref<200x128xi32, #tpu.memory_space<hbm>>
      %dma_start3A_63 = arith.constant 0 : i32
      %dma_start3A_64 = tpu.memref_slice %arg2[%mul3A_2, %dma_start3A_63] : memref<6400x128xi32, #tpu.memory_space<hbm>> -> memref<200x128xi32, #tpu.memory_space<hbm>>
      tpu.enqueue_dma source(%dma_start3A_64 : memref<200x128xi32, #tpu.memory_space<hbm>>) target(%arg6 : memref<200x128xi32, #tpu.memory_space<vmem>>) target_semaphore(%run_scoped3A : memref<!tpu.dma_semaphore, #tpu.memory_space<semaphore_mem>>)
      %dma_wait3A_65 = arith.constant 0 : i32
      %dma_wait3A_66 = tpu.memref_slice %arg2[%mul3A_2, %dma_wait3A_65] : memref<6400x128xi32, #tpu.memory_space<hbm>> -> memref<200x128xi32, #tpu.memory_space<hbm>>
      %dma_wait3A_67 = arith.constant 0 : i32
      %dma_wait3A_68 = tpu.memref_slice %arg2[%mul3A_2, %dma_wait3A_67] : memref<6400x128xi32, #tpu.memory_space<hbm>> -> memref<200x128xi32, #tpu.memory_space<hbm>>
      tpu.wait_dma2 semaphore(%run_scoped3A : memref<!tpu.dma_semaphore, #tpu.memory_space<semaphore_mem>>) src(%dma_wait3A_68 : memref<200x128xi32, #tpu.memory_space<hbm>>) dst(%arg6 : memref<200x128xi32, #tpu.memory_space<vmem>>)
      tpu.yield
    }) : () -> ()
    %mul3A_3 = arith.constant 25600 : i32
    %mul3A_4 = arith.muli %add3A, %mul3A_3 : i32
    %dma_start3A = arith.constant 0 : i32
    %dma_start3A_5 = arith.constant 0 : i32
    %dma_start3A_6 = tpu.memref_slice %arg6[%dma_start3A, %dma_start3A_5] : memref<200x128xi32, #tpu.memory_space<vmem>> -> memref<1x128xi32, #tpu.memory_space<vmem>>
    %dma_start3A_7 = tpu.memref_squeeze %dma_start3A_6 : memref<1x128xi32, #tpu.memory_space<vmem>> -> memref<128xi32, #tpu.memory_space<vmem>>
    %dma_start3A_8 = arith.constant 0 : i32
    %dma_start3A_9 = arith.constant 0 : i32
    %dma_start3A_10 = tpu.memref_slice %arg3[%dma_start3A_8, %dma_start3A_9] : memref<1000000x64xf32, #tpu.memory_space<hbm>> -> memref<1000000x64xf32, #tpu.memory_space<hbm>>
    tpu.enqueue_indirect_dma source(%dma_start3A_10 : memref<1000000x64xf32, #tpu.memory_space<hbm>>) target(%arg7 : memref<128x64xf32, #tpu.memory_space<vmem>>) offsets(%dma_start3A_7 : memref<128xi32, #tpu.memory_space<vmem>>) semaphore(%arg16 : memref<!tpu.dma_semaphore, #tpu.memory_space<semaphore_mem>>)
    %dma_start3A_11 = arith.constant 1 : i32
    %dma_start3A_12 = arith.constant 0 : i32
    %dma_start3A_13 = tpu.memref_slice %arg6[%dma_start3A_11, %dma_start3A_12] : memref<200x128xi32, #tpu.memory_space<vmem>> -> memref<1x128xi32, #tpu.memory_space<vmem>>
    %dma_start3A_14 = tpu.memref_squeeze %dma_start3A_13 : memref<1x128xi32, #tpu.memory_space<vmem>> -> memref<128xi32, #tpu.memory_space<vmem>>
    %dma_start3A_15 = arith.constant 0 : i32
    %dma_start3A_16 = arith.constant 0 : i32
    %dma_start3A_17 = tpu.memref_slice %arg3[%dma_start3A_15, %dma_start3A_16] : memref<1000000x64xf32, #tpu.memory_space<hbm>> -> memref<1000000x64xf32, #tpu.memory_space<hbm>>
    tpu.enqueue_indirect_dma source(%dma_start3A_17 : memref<1000000x64xf32, #tpu.memory_space<hbm>>) target(%arg8 : memref<128x64xf32, #tpu.memory_space<vmem>>) offsets(%dma_start3A_14 : memref<128xi32, #tpu.memory_space<vmem>>) semaphore(%arg17 : memref<!tpu.dma_semaphore, #tpu.memory_space<semaphore_mem>>)
    %dma_start3A_18 = arith.constant 2 : i32
    %dma_start3A_19 = arith.constant 0 : i32
    %dma_start3A_20 = tpu.memref_slice %arg6[%dma_start3A_18, %dma_start3A_19] : memref<200x128xi32, #tpu.memory_space<vmem>> -> memref<1x128xi32, #tpu.memory_space<vmem>>
    %dma_start3A_21 = tpu.memref_squeeze %dma_start3A_20 : memref<1x128xi32, #tpu.memory_space<vmem>> -> memref<128xi32, #tpu.memory_space<vmem>>
    %dma_start3A_22 = arith.constant 0 : i32
    %dma_start3A_23 = arith.constant 0 : i32
    %dma_start3A_24 = tpu.memref_slice %arg3[%dma_start3A_22, %dma_start3A_23] : memref<1000000x64xf32, #tpu.memory_space<hbm>> -> memref<1000000x64xf32, #tpu.memory_space<hbm>>
    tpu.enqueue_indirect_dma source(%dma_start3A_24 : memref<1000000x64xf32, #tpu.memory_space<hbm>>) target(%arg9 : memref<128x64xf32, #tpu.memory_space<vmem>>) offsets(%dma_start3A_21 : memref<128xi32, #tpu.memory_space<vmem>>) semaphore(%arg18 : memref<!tpu.dma_semaphore, #tpu.memory_space<semaphore_mem>>)
    %dma_start3A_25 = arith.constant 3 : i32
    %dma_start3A_26 = arith.constant 0 : i32
    %dma_start3A_27 = tpu.memref_slice %arg6[%dma_start3A_25, %dma_start3A_26] : memref<200x128xi32, #tpu.memory_space<vmem>> -> memref<1x128xi32, #tpu.memory_space<vmem>>
    %dma_start3A_28 = tpu.memref_squeeze %dma_start3A_27 : memref<1x128xi32, #tpu.memory_space<vmem>> -> memref<128xi32, #tpu.memory_space<vmem>>
    %dma_start3A_29 = arith.constant 0 : i32
    %dma_start3A_30 = arith.constant 0 : i32
    %dma_start3A_31 = tpu.memref_slice %arg3[%dma_start3A_29, %dma_start3A_30] : memref<1000000x64xf32, #tpu.memory_space<hbm>> -> memref<1000000x64xf32, #tpu.memory_space<hbm>>
    tpu.enqueue_indirect_dma source(%dma_start3A_31 : memref<1000000x64xf32, #tpu.memory_space<hbm>>) target(%arg10 : memref<128x64xf32, #tpu.memory_space<vmem>>) offsets(%dma_start3A_28 : memref<128xi32, #tpu.memory_space<vmem>>) semaphore(%arg19 : memref<!tpu.dma_semaphore, #tpu.memory_space<semaphore_mem>>)
    %scan3A = arith.constant 0 : i32
    %scan3A_32 = arith.constant 0 : i32
    %scan3A_33 = arith.constant 50 : i32
    %scan3A_34 = arith.addi %scan3A_32, %scan3A_33 : i32
    %scan3A_35 = arith.constant 1 : i32
    %scan3A_36 = scf.for %scan3A_61 = %scan3A_32 to %scan3A_34 step %scan3A_35 iter_args(%scan3A_62 = %scan3A) -> (i32)  : i32 {
      %mul3A_63 = arith.constant 4 : i32
      %mul3A_64 = arith.muli %mul3A_63, %scan3A_61 : i32
      %add3A_65 = arith.constant 0 : i32
      %add3A_66 = arith.addi %mul3A_64, %add3A_65 : i32
      %dma_wait3A_67 = arith.constant 0 : i32
      %dma_wait3A_68 = tpu.memref_slice %arg6[%add3A_66, %dma_wait3A_67] : memref<200x128xi32, #tpu.memory_space<vmem>> -> memref<1x128xi32, #tpu.memory_space<vmem>>
      %dma_wait3A_69 = tpu.memref_squeeze %dma_wait3A_68 : memref<1x128xi32, #tpu.memory_space<vmem>> -> memref<128xi32, #tpu.memory_space<vmem>>
      %dma_wait3A_70 = arith.constant 0 : i32
      %dma_wait3A_71 = arith.constant 0 : i32
      %dma_wait3A_72 = tpu.memref_slice %arg3[%dma_wait3A_70, %dma_wait3A_71] : memref<1000000x64xf32, #tpu.memory_space<hbm>> -> memref<1000000x64xf32, #tpu.memory_space<hbm>>
      tpu.wait_indirect_dma semaphore(%arg16 : memref<!tpu.dma_semaphore, #tpu.memory_space<semaphore_mem>>) src(%dma_wait3A_72 : memref<1000000x64xf32, #tpu.memory_space<hbm>>) dst(%arg7 : memref<128x64xf32, #tpu.memory_space<vmem>>)
      %ge3A = arith.constant 1 : i32
      %ge3A_73 = arith.cmpi sge, %scan3A_61, %ge3A : i32
      %convert_element_type3A = arith.extui %ge3A_73 : i1 to i32
      %cond3A = arith.constant 0 : i32
      %cond3A_74 = arith.cmpi ne, %convert_element_type3A, %cond3A : i32
      scf.if %cond3A_74 {
        %sub3A = arith.constant 4 : i32
        %sub3A_202 = arith.subi %add3A_66, %sub3A : i32
        %mul3A_203 = arith.constant 128 : i32
        %mul3A_204 = arith.muli %sub3A_202, %mul3A_203 : i32
        %add3A_205 = arith.addi %mul3A_4, %mul3A_204 : i32
        %mul3A_206 = arith.constant 64 : i32
        %mul3A_207 = arith.muli %add3A_205, %mul3A_206 : i32
        %dma_wait3A_208 = tpu.memref_slice %arg5[%mul3A_207] : memref<52428800xf32, #tpu.memory_space<hbm>> -> memref<8192xf32, #tpu.memory_space<hbm>>
        %dma_wait3A_209 = tpu.memref_slice %arg5[%mul3A_207] : memref<52428800xf32, #tpu.memory_space<hbm>> -> memref<8192xf32, #tpu.memory_space<hbm>>
        tpu.wait_dma2 semaphore(%arg20 : memref<!tpu.dma_semaphore, #tpu.memory_space<semaphore_mem>>) src(%arg11 : memref<8192xf32, #tpu.memory_space<vmem>>) dst(%dma_wait3A_209 : memref<8192xf32, #tpu.memory_space<hbm>>)
      } else {
      }
      %mul3A_75 = arith.constant 128 : i32
      %mul3A_76 = arith.muli %add3A_66, %mul3A_75 : i32
      %rem3A = arith.constant 200 : i32
      %rem3A_77 = arith.remsi %mul3A_76, %rem3A : i32
      %mul3A_78 = arith.constant 64 : i32
      %mul3A_79 = arith.muli %rem3A_77, %mul3A_78 : i32
      %parallel_loop3A = arith.constant 0 : i32
      %parallel_loop3A_80 = arith.constant 128 : i32
      %parallel_loop3A_81 = arith.constant 1 : i32
      scf.for %parallel_loop3A_202 = %parallel_loop3A to %parallel_loop3A_80 step %parallel_loop3A_81  : i32 {
        %parallel_loop3A_203 = arith.index_cast %parallel_loop3A_202 : i32 to index
        %parallel_loop3A_204 = arith.constant 0 : index
        %parallel_loop3A_205 = tpu.vector_load %arg7[%parallel_loop3A_203, %parallel_loop3A_204] {strides = array<i32>} : memref<128x64xf32, #tpu.memory_space<vmem>>, vector<1x16xf32>,
        %parallel_loop3A_206 = vector.shape_cast %parallel_loop3A_205 : vector<1x16xf32> to vector<16xf32>
        %parallel_loop3A_207 = arith.constant 8.000000e+00 : f32
        %parallel_loop3A_208 = vector.broadcast %parallel_loop3A_207 : f32 to vector<16xf32>
        %parallel_loop3A_209 = arith.mulf %parallel_loop3A_206, %parallel_loop3A_208 : vector<16xf32>
        %parallel_loop3A_210 = arith.constant 64 : i32
        %parallel_loop3A_211 = arith.muli %parallel_loop3A_202, %parallel_loop3A_210 : i32
        %parallel_loop3A_212 = arith.addi %mul3A_79, %parallel_loop3A_211 : i32
        %parallel_loop3A_213 = arith.constant 0 : i32
        %parallel_loop3A_214 = arith.addi %parallel_loop3A_212, %parallel_loop3A_213 : i32
        %parallel_loop3A_215 = arith.index_cast %parallel_loop3A_214 : i32 to index
        %parallel_loop3A_216 = tpu.vector_load %arg15[%parallel_loop3A_215] {strides = array<i32>} : memref<25600xf32, #tpu.memory_space<vmem>>, vector<16xf32>,
        %parallel_loop3A_217 = vector.shape_cast %parallel_loop3A_216 : vector<16xf32> to vector<16xf32>
        %parallel_loop3A_218 = arith.addf %parallel_loop3A_209, %parallel_loop3A_217 : vector<16xf32>
        %parallel_loop3A_219 = arith.constant 64 : i32
        %parallel_loop3A_220 = arith.muli %parallel_loop3A_202, %parallel_loop3A_219 : i32
        %parallel_loop3A_221 = arith.constant 0 : i32
        %parallel_loop3A_222 = arith.addi %parallel_loop3A_220, %parallel_loop3A_221 : i32
        %parallel_loop3A_223 = arith.index_cast %parallel_loop3A_222 : i32 to index
        %parallel_loop3A_224 = tpu.vector_load %arg11[%parallel_loop3A_223] {strides = array<i32>} : memref<8192xf32, #tpu.memory_space<vmem>>, vector<16xf32>,
        %parallel_loop3A_225 = vector.shape_cast %parallel_loop3A_224 : vector<16xf32> to vector<16xf32>
        %parallel_loop3A_226 = vector.shape_cast %parallel_loop3A_218 : vector<16xf32> to vector<16xf32>
        tpu.vector_store %arg11[%parallel_loop3A_223], %parallel_loop3A_226 {strides = array<i32>} : memref<8192xf32, #tpu.memory_space<vmem>>, vector<16xf32>,
        %parallel_loop3A_227 = arith.index_cast %parallel_loop3A_202 : i32 to index
        %parallel_loop3A_228 = arith.constant 16 : index
        %parallel_loop3A_229 = tpu.vector_load %arg7[%parallel_loop3A_227, %parallel_loop3A_228] {strides = array<i32>} : memref<128x64xf32, #tpu.memory_space<vmem>>, vector<1x16xf32>,
        %parallel_loop3A_230 = vector.shape_cast %parallel_loop3A_229 : vector<1x16xf32> to vector<16xf32>
        %parallel_loop3A_231 = arith.constant 8.000000e+00 : f32
        %parallel_loop3A_232 = vector.broadcast %parallel_loop3A_231 : f32 to vector<16xf32>
        %parallel_loop3A_233 = arith.mulf %parallel_loop3A_230, %parallel_loop3A_232 : vector<16xf32>
        %parallel_loop3A_234 = arith.constant 64 : i32
        %parallel_loop3A_235 = arith.muli %parallel_loop3A_202, %parallel_loop3A_234 : i32
        %parallel_loop3A_236 = arith.addi %mul3A_79, %parallel_loop3A_235 : i32
        %parallel_loop3A_237 = arith.constant 16 : i32
        %parallel_loop3A_238 = arith.addi %parallel_loop3A_236, %parallel_loop3A_237 : i32
        %parallel_loop3A_239 = arith.index_cast %parallel_loop3A_238 : i32 to index
        %parallel_loop3A_240 = tpu.vector_load %arg15[%parallel_loop3A_239] {strides = array<i32>} : memref<25600xf32, #tpu.memory_space<vmem>>, vector<16xf32>,
        %parallel_loop3A_241 = vector.shape_cast %parallel_loop3A_240 : vector<16xf32> to vector<16xf32>
        %parallel_loop3A_242 = arith.addf %parallel_loop3A_233, %parallel_loop3A_241 : vector<16xf32>
        %parallel_loop3A_243 = arith.constant 64 : i32
        %parallel_loop3A_244 = arith.muli %parallel_loop3A_202, %parallel_loop3A_243 : i32
        %parallel_loop3A_245 = arith.constant 16 : i32
        %parallel_loop3A_246 = arith.addi %parallel_loop3A_244, %parallel_loop3A_245 : i32
        %parallel_loop3A_247 = arith.index_cast %parallel_loop3A_246 : i32 to index
        %parallel_loop3A_248 = tpu.vector_load %arg11[%parallel_loop3A_247] {strides = array<i32>} : memref<8192xf32, #tpu.memory_space<vmem>>, vector<16xf32>,
        %parallel_loop3A_249 = vector.shape_cast %parallel_loop3A_248 : vector<16xf32> to vector<16xf32>
        %parallel_loop3A_250 = vector.shape_cast %parallel_loop3A_242 : vector<16xf32> to vector<16xf32>
        tpu.vector_store %arg11[%parallel_loop3A_247], %parallel_loop3A_250 {strides = array<i32>} : memref<8192xf32, #tpu.memory_space<vmem>>, vector<16xf32>,
        %parallel_loop3A_251 = arith.index_cast %parallel_loop3A_202 : i32 to index
        %parallel_loop3A_252 = arith.constant 32 : index
        %parallel_loop3A_253 = tpu.vector_load %arg7[%parallel_loop3A_251, %parallel_loop3A_252] {strides = array<i32>} : memref<128x64xf32, #tpu.memory_space<vmem>>, vector<1x16xf32>,
        %parallel_loop3A_254 = vector.shape_cast %parallel_loop3A_253 : vector<1x16xf32> to vector<16xf32>
        %parallel_loop3A_255 = arith.constant 8.000000e+00 : f32
        %parallel_loop3A_256 = vector.broadcast %parallel_loop3A_255 : f32 to vector<16xf32>
        %parallel_loop3A_257 = arith.mulf %parallel_loop3A_254, %parallel_loop3A_256 : vector<16xf32>
        %parallel_loop3A_258 = arith.constant 64 : i32
        %parallel_loop3A_259 = arith.muli %parallel_loop3A_202, %parallel_loop3A_258 : i32
        %parallel_loop3A_260 = arith.addi %mul3A_79, %parallel_loop3A_259 : i32
        %parallel_loop3A_261 = arith.constant 32 : i32
        %parallel_loop3A_262 = arith.addi %parallel_loop3A_260, %parallel_loop3A_261 : i32
        %parallel_loop3A_263 = arith.index_cast %parallel_loop3A_262 : i32 to index
        %parallel_loop3A_264 = tpu.vector_load %arg15[%parallel_loop3A_263] {strides = array<i32>} : memref<25600xf32, #tpu.memory_space<vmem>>, vector<16xf32>,
        %parallel_loop3A_265 = vector.shape_cast %parallel_loop3A_264 : vector<16xf32> to vector<16xf32>
        %parallel_loop3A_266 = arith.addf %parallel_loop3A_257, %parallel_loop3A_265 : vector<16xf32>
        %parallel_loop3A_267 = arith.constant 64 : i32
        %parallel_loop3A_268 = arith.muli %parallel_loop3A_202, %parallel_loop3A_267 : i32
        %parallel_loop3A_269 = arith.constant 32 : i32
        %parallel_loop3A_270 = arith.addi %parallel_loop3A_268, %parallel_loop3A_269 : i32
        %parallel_loop3A_271 = arith.index_cast %parallel_loop3A_270 : i32 to index
        %parallel_loop3A_272 = tpu.vector_load %arg11[%parallel_loop3A_271] {strides = array<i32>} : memref<8192xf32, #tpu.memory_space<vmem>>, vector<16xf32>,
        %parallel_loop3A_273 = vector.shape_cast %parallel_loop3A_272 : vector<16xf32> to vector<16xf32>
        %parallel_loop3A_274 = vector.shape_cast %parallel_loop3A_266 : vector<16xf32> to vector<16xf32>
        tpu.vector_store %arg11[%parallel_loop3A_271], %parallel_loop3A_274 {strides = array<i32>} : memref<8192xf32, #tpu.memory_space<vmem>>, vector<16xf32>,
        %parallel_loop3A_275 = arith.index_cast %parallel_loop3A_202 : i32 to index
        %parallel_loop3A_276 = arith.constant 48 : index
        %parallel_loop3A_277 = tpu.vector_load %arg7[%parallel_loop3A_275, %parallel_loop3A_276] {strides = array<i32>} : memref<128x64xf32, #tpu.memory_space<vmem>>, vector<1x16xf32>,
        %parallel_loop3A_278 = vector.shape_cast %parallel_loop3A_277 : vector<1x16xf32> to vector<16xf32>
        %parallel_loop3A_279 = arith.constant 8.000000e+00 : f32
        %parallel_loop3A_280 = vector.broadcast %parallel_loop3A_279 : f32 to vector<16xf32>
        %parallel_loop3A_281 = arith.mulf %parallel_loop3A_278, %parallel_loop3A_280 : vector<16xf32>
        %parallel_loop3A_282 = arith.constant 64 : i32
        %parallel_loop3A_283 = arith.muli %parallel_loop3A_202, %parallel_loop3A_282 : i32
        %parallel_loop3A_284 = arith.addi %mul3A_79, %parallel_loop3A_283 : i32
        %parallel_loop3A_285 = arith.constant 48 : i32
        %parallel_loop3A_286 = arith.addi %parallel_loop3A_284, %parallel_loop3A_285 : i32
        %parallel_loop3A_287 = arith.index_cast %parallel_loop3A_286 : i32 to index
        %parallel_loop3A_288 = tpu.vector_load %arg15[%parallel_loop3A_287] {strides = array<i32>} : memref<25600xf32, #tpu.memory_space<vmem>>, vector<16xf32>,
        %parallel_loop3A_289 = vector.shape_cast %parallel_loop3A_288 : vector<16xf32> to vector<16xf32>
        %parallel_loop3A_290 = arith.addf %parallel_loop3A_281, %parallel_loop3A_289 : vector<16xf32>
        %parallel_loop3A_291 = arith.constant 64 : i32
        %parallel_loop3A_292 = arith.muli %parallel_loop3A_202, %parallel_loop3A_291 : i32
        %parallel_loop3A_293 = arith.constant 48 : i32
        %parallel_loop3A_294 = arith.addi %parallel_loop3A_292, %parallel_loop3A_293 : i32
        %parallel_loop3A_295 = arith.index_cast %parallel_loop3A_294 : i32 to index
        %parallel_loop3A_296 = tpu.vector_load %arg11[%parallel_loop3A_295] {strides = array<i32>} : memref<8192xf32, #tpu.memory_space<vmem>>, vector<16xf32>,
        %parallel_loop3A_297 = vector.shape_cast %parallel_loop3A_296 : vector<16xf32> to vector<16xf32>
        %parallel_loop3A_298 = vector.shape_cast %parallel_loop3A_290 : vector<16xf32> to vector<16xf32>
        tpu.vector_store %arg11[%parallel_loop3A_295], %parallel_loop3A_298 {strides = array<i32>} : memref<8192xf32, #tpu.memory_space<vmem>>, vector<16xf32>,
      } {sc.loop_unroll_factor = 4 : i64, sc.parallel_access}
      %lt3A = arith.constant 49 : i32
      %lt3A_82 = arith.cmpi slt, %scan3A_61, %lt3A : i32
      %convert_element_type3A_83 = arith.extui %lt3A_82 : i1 to i32
      %cond3A_84 = arith.constant 0 : i32
      %cond3A_85 = arith.cmpi ne, %convert_element_type3A_83, %cond3A_84 : i32
      scf.if %cond3A_85 {
        %add3A_202 = arith.constant 4 : i32
        %add3A_203 = arith.addi %add3A_66, %add3A_202 : i32
        %dma_start3A_204 = arith.constant 0 : i32
        %dma_start3A_205 = tpu.memref_slice %arg6[%add3A_203, %dma_start3A_204] : memref<200x128xi32, #tpu.memory_space<vmem>> -> memref<1x128xi32, #tpu.memory_space<vmem>>
        %dma_start3A_206 = tpu.memref_squeeze %dma_start3A_205 : memref<1x128xi32, #tpu.memory_space<vmem>> -> memref<128xi32, #tpu.memory_space<vmem>>
        %dma_start3A_207 = arith.constant 0 : i32
        %dma_start3A_208 = arith.constant 0 : i32
        %dma_start3A_209 = tpu.memref_slice %arg3[%dma_start3A_207, %dma_start3A_208] : memref<1000000x64xf32, #tpu.memory_space<hbm>> -> memref<1000000x64xf32, #tpu.memory_space<hbm>>
        tpu.enqueue_indirect_dma source(%dma_start3A_209 : memref<1000000x64xf32, #tpu.memory_space<hbm>>) target(%arg7 : memref<128x64xf32, #tpu.memory_space<vmem>>) offsets(%dma_start3A_206 : memref<128xi32, #tpu.memory_space<vmem>>) semaphore(%arg16 : memref<!tpu.dma_semaphore, #tpu.memory_space<semaphore_mem>>)
      } else {
      }
      %mul3A_86 = arith.constant 128 : i32
      %mul3A_87 = arith.muli %add3A_66, %mul3A_86 : i32
      %add3A_88 = arith.addi %mul3A_4, %mul3A_87 : i32
      %mul3A_89 = arith.constant 64 : i32
      %mul3A_90 = arith.muli %add3A_88, %mul3A_89 : i32
      %dma_start3A_91 = tpu.memref_slice %arg5[%mul3A_90] : memref<52428800xf32, #tpu.memory_space<hbm>> -> memref<8192xf32, #tpu.memory_space<hbm>>
      %dma_start3A_92 = tpu.memref_slice %arg5[%mul3A_90] : memref<52428800xf32, #tpu.memory_space<hbm>> -> memref<8192xf32, #tpu.memory_space<hbm>>
      tpu.enqueue_dma source(%arg11 : memref<8192xf32, #tpu.memory_space<vmem>>) target(%dma_start3A_92 : memref<8192xf32, #tpu.memory_space<hbm>>) target_semaphore(%arg20 : memref<!tpu.dma_semaphore, #tpu.memory_space<semaphore_mem>>)
      %mul3A_93 = arith.constant 4 : i32
      %mul3A_94 = arith.muli %mul3A_93, %scan3A_61 : i32
      %add3A_95 = arith.constant 1 : i32
      %add3A_96 = arith.addi %mul3A_94, %add3A_95 : i32
      %dma_wait3A_97 = arith.constant 0 : i32
      %dma_wait3A_98 = tpu.memref_slice %arg6[%add3A_96, %dma_wait3A_97] : memref<200x128xi32, #tpu.memory_space<vmem>> -> memref<1x128xi32, #tpu.memory_space<vmem>>
      %dma_wait3A_99 = tpu.memref_squeeze %dma_wait3A_98 : memref<1x128xi32, #tpu.memory_space<vmem>> -> memref<128xi32, #tpu.memory_space<vmem>>
      %dma_wait3A_100 = arith.constant 0 : i32
      %dma_wait3A_101 = arith.constant 0 : i32
      %dma_wait3A_102 = tpu.memref_slice %arg3[%dma_wait3A_100, %dma_wait3A_101] : memref<1000000x64xf32, #tpu.memory_space<hbm>> -> memref<1000000x64xf32, #tpu.memory_space<hbm>>
      tpu.wait_indirect_dma semaphore(%arg17 : memref<!tpu.dma_semaphore, #tpu.memory_space<semaphore_mem>>) src(%dma_wait3A_102 : memref<1000000x64xf32, #tpu.memory_space<hbm>>) dst(%arg8 : memref<128x64xf32, #tpu.memory_space<vmem>>)
      %ge3A_103 = arith.constant 1 : i32
      %ge3A_104 = arith.cmpi sge, %scan3A_61, %ge3A_103 : i32
      %convert_element_type3A_105 = arith.extui %ge3A_104 : i1 to i32
      %cond3A_106 = arith.constant 0 : i32
      %cond3A_107 = arith.cmpi ne, %convert_element_type3A_105, %cond3A_106 : i32
      scf.if %cond3A_107 {
        %sub3A = arith.constant 4 : i32
        %sub3A_202 = arith.subi %add3A_96, %sub3A : i32
        %mul3A_203 = arith.constant 128 : i32
        %mul3A_204 = arith.muli %sub3A_202, %mul3A_203 : i32
        %add3A_205 = arith.addi %mul3A_4, %mul3A_204 : i32
        %mul3A_206 = arith.constant 64 : i32
        %mul3A_207 = arith.muli %add3A_205, %mul3A_206 : i32
        %dma_wait3A_208 = tpu.memref_slice %arg5[%mul3A_207] : memref<52428800xf32, #tpu.memory_space<hbm>> -> memref<8192xf32, #tpu.memory_space<hbm>>
        %dma_wait3A_209 = tpu.memref_slice %arg5[%mul3A_207] : memref<52428800xf32, #tpu.memory_space<hbm>> -> memref<8192xf32, #tpu.memory_space<hbm>>
        tpu.wait_dma2 semaphore(%arg21 : memref<!tpu.dma_semaphore, #tpu.memory_space<semaphore_mem>>) src(%arg12 : memref<8192xf32, #tpu.memory_space<vmem>>) dst(%dma_wait3A_209 : memref<8192xf32, #tpu.memory_space<hbm>>)
      } else {
      }
      %mul3A_108 = arith.constant 128 : i32
      %mul3A_109 = arith.muli %add3A_96, %mul3A_108 : i32
      %rem3A_110 = arith.constant 200 : i32
      %rem3A_111 = arith.remsi %mul3A_109, %rem3A_110 : i32
      %mul3A_112 = arith.constant 64 : i32
      %mul3A_113 = arith.muli %rem3A_111, %mul3A_112 : i32
      %parallel_loop3A_114 = arith.constant 0 : i32
      %parallel_loop3A_115 = arith.constant 128 : i32
      %parallel_loop3A_116 = arith.constant 1 : i32
      scf.for %parallel_loop3A_202 = %parallel_loop3A_114 to %parallel_loop3A_115 step %parallel_loop3A_116  : i32 {
        %parallel_loop3A_203 = arith.index_cast %parallel_loop3A_202 : i32 to index
        %parallel_loop3A_204 = arith.constant 0 : index
        %parallel_loop3A_205 = tpu.vector_load %arg8[%parallel_loop3A_203, %parallel_loop3A_204] {strides = array<i32>} : memref<128x64xf32, #tpu.memory_space<vmem>>, vector<1x16xf32>,
        %parallel_loop3A_206 = vector.shape_cast %parallel_loop3A_205 : vector<1x16xf32> to vector<16xf32>
        %parallel_loop3A_207 = arith.constant 8.000000e+00 : f32
        %parallel_loop3A_208 = vector.broadcast %parallel_loop3A_207 : f32 to vector<16xf32>
        %parallel_loop3A_209 = arith.mulf %parallel_loop3A_206, %parallel_loop3A_208 : vector<16xf32>
        %parallel_loop3A_210 = arith.constant 64 : i32
        %parallel_loop3A_211 = arith.muli %parallel_loop3A_202, %parallel_loop3A_210 : i32
        %parallel_loop3A_212 = arith.addi %mul3A_113, %parallel_loop3A_211 : i32
        %parallel_loop3A_213 = arith.constant 0 : i32
        %parallel_loop3A_214 = arith.addi %parallel_loop3A_212, %parallel_loop3A_213 : i32
        %parallel_loop3A_215 = arith.index_cast %parallel_loop3A_214 : i32 to index
        %parallel_loop3A_216 = tpu.vector_load %arg15[%parallel_loop3A_215] {strides = array<i32>} : memref<25600xf32, #tpu.memory_space<vmem>>, vector<16xf32>,
        %parallel_loop3A_217 = vector.shape_cast %parallel_loop3A_216 : vector<16xf32> to vector<16xf32>
        %parallel_loop3A_218 = arith.addf %parallel_loop3A_209, %parallel_loop3A_217 : vector<16xf32>
        %parallel_loop3A_219 = arith.constant 64 : i32
        %parallel_loop3A_220 = arith.muli %parallel_loop3A_202, %parallel_loop3A_219 : i32
        %parallel_loop3A_221 = arith.constant 0 : i32
        %parallel_loop3A_222 = arith.addi %parallel_loop3A_220, %parallel_loop3A_221 : i32
        %parallel_loop3A_223 = arith.index_cast %parallel_loop3A_222 : i32 to index
        %parallel_loop3A_224 = tpu.vector_load %arg12[%parallel_loop3A_223] {strides = array<i32>} : memref<8192xf32, #tpu.memory_space<vmem>>, vector<16xf32>,
        %parallel_loop3A_225 = vector.shape_cast %parallel_loop3A_224 : vector<16xf32> to vector<16xf32>
        %parallel_loop3A_226 = vector.shape_cast %parallel_loop3A_218 : vector<16xf32> to vector<16xf32>
        tpu.vector_store %arg12[%parallel_loop3A_223], %parallel_loop3A_226 {strides = array<i32>} : memref<8192xf32, #tpu.memory_space<vmem>>, vector<16xf32>,
        %parallel_loop3A_227 = arith.index_cast %parallel_loop3A_202 : i32 to index
        %parallel_loop3A_228 = arith.constant 16 : index
        %parallel_loop3A_229 = tpu.vector_load %arg8[%parallel_loop3A_227, %parallel_loop3A_228] {strides = array<i32>} : memref<128x64xf32, #tpu.memory_space<vmem>>, vector<1x16xf32>,
        %parallel_loop3A_230 = vector.shape_cast %parallel_loop3A_229 : vector<1x16xf32> to vector<16xf32>
        %parallel_loop3A_231 = arith.constant 8.000000e+00 : f32
        %parallel_loop3A_232 = vector.broadcast %parallel_loop3A_231 : f32 to vector<16xf32>
        %parallel_loop3A_233 = arith.mulf %parallel_loop3A_230, %parallel_loop3A_232 : vector<16xf32>
        %parallel_loop3A_234 = arith.constant 64 : i32
        %parallel_loop3A_235 = arith.muli %parallel_loop3A_202, %parallel_loop3A_234 : i32
        %parallel_loop3A_236 = arith.addi %mul3A_113, %parallel_loop3A_235 : i32
        %parallel_loop3A_237 = arith.constant 16 : i32
        %parallel_loop3A_238 = arith.addi %parallel_loop3A_236, %parallel_loop3A_237 : i32
        %parallel_loop3A_239 = arith.index_cast %parallel_loop3A_238 : i32 to index
        %parallel_loop3A_240 = tpu.vector_load %arg15[%parallel_loop3A_239] {strides = array<i32>} : memref<25600xf32, #tpu.memory_space<vmem>>, vector<16xf32>,
        %parallel_loop3A_241 = vector.shape_cast %parallel_loop3A_240 : vector<16xf32> to vector<16xf32>
        %parallel_loop3A_242 = arith.addf %parallel_loop3A_233, %parallel_loop3A_241 : vector<16xf32>
        %parallel_loop3A_243 = arith.constant 64 : i32
        %parallel_loop3A_244 = arith.muli %parallel_loop3A_202, %parallel_loop3A_243 : i32
        %parallel_loop3A_245 = arith.constant 16 : i32
        %parallel_loop3A_246 = arith.addi %parallel_loop3A_244, %parallel_loop3A_245 : i32
        %parallel_loop3A_247 = arith.index_cast %parallel_loop3A_246 : i32 to index
        %parallel_loop3A_248 = tpu.vector_load %arg12[%parallel_loop3A_247] {strides = array<i32>} : memref<8192xf32, #tpu.memory_space<vmem>>, vector<16xf32>,
        %parallel_loop3A_249 = vector.shape_cast %parallel_loop3A_248 : vector<16xf32> to vector<16xf32>
        %parallel_loop3A_250 = vector.shape_cast %parallel_loop3A_242 : vector<16xf32> to vector<16xf32>
        tpu.vector_store %arg12[%parallel_loop3A_247], %parallel_loop3A_250 {strides = array<i32>} : memref<8192xf32, #tpu.memory_space<vmem>>, vector<16xf32>,
        %parallel_loop3A_251 = arith.index_cast %parallel_loop3A_202 : i32 to index
        %parallel_loop3A_252 = arith.constant 32 : index
        %parallel_loop3A_253 = tpu.vector_load %arg8[%parallel_loop3A_251, %parallel_loop3A_252] {strides = array<i32>} : memref<128x64xf32, #tpu.memory_space<vmem>>, vector<1x16xf32>,
        %parallel_loop3A_254 = vector.shape_cast %parallel_loop3A_253 : vector<1x16xf32> to vector<16xf32>
        %parallel_loop3A_255 = arith.constant 8.000000e+00 : f32
        %parallel_loop3A_256 = vector.broadcast %parallel_loop3A_255 : f32 to vector<16xf32>
        %parallel_loop3A_257 = arith.mulf %parallel_loop3A_254, %parallel_loop3A_256 : vector<16xf32>
        %parallel_loop3A_258 = arith.constant 64 : i32
        %parallel_loop3A_259 = arith.muli %parallel_loop3A_202, %parallel_loop3A_258 : i32
        %parallel_loop3A_260 = arith.addi %mul3A_113, %parallel_loop3A_259 : i32
        %parallel_loop3A_261 = arith.constant 32 : i32
        %parallel_loop3A_262 = arith.addi %parallel_loop3A_260, %parallel_loop3A_261 : i32
        %parallel_loop3A_263 = arith.index_cast %parallel_loop3A_262 : i32 to index
        %parallel_loop3A_264 = tpu.vector_load %arg15[%parallel_loop3A_263] {strides = array<i32>} : memref<25600xf32, #tpu.memory_space<vmem>>, vector<16xf32>,
        %parallel_loop3A_265 = vector.shape_cast %parallel_loop3A_264 : vector<16xf32> to vector<16xf32>
        %parallel_loop3A_266 = arith.addf %parallel_loop3A_257, %parallel_loop3A_265 : vector<16xf32>
        %parallel_loop3A_267 = arith.constant 64 : i32
        %parallel_loop3A_268 = arith.muli %parallel_loop3A_202, %parallel_loop3A_267 : i32
        %parallel_loop3A_269 = arith.constant 32 : i32
        %parallel_loop3A_270 = arith.addi %parallel_loop3A_268, %parallel_loop3A_269 : i32
        %parallel_loop3A_271 = arith.index_cast %parallel_loop3A_270 : i32 to index
        %parallel_loop3A_272 = tpu.vector_load %arg12[%parallel_loop3A_271] {strides = array<i32>} : memref<8192xf32, #tpu.memory_space<vmem>>, vector<16xf32>,
        %parallel_loop3A_273 = vector.shape_cast %parallel_loop3A_272 : vector<16xf32> to vector<16xf32>
        %parallel_loop3A_274 = vector.shape_cast %parallel_loop3A_266 : vector<16xf32> to vector<16xf32>
        tpu.vector_store %arg12[%parallel_loop3A_271], %parallel_loop3A_274 {strides = array<i32>} : memref<8192xf32, #tpu.memory_space<vmem>>, vector<16xf32>,
        %parallel_loop3A_275 = arith.index_cast %parallel_loop3A_202 : i32 to index
        %parallel_loop3A_276 = arith.constant 48 : index
        %parallel_loop3A_277 = tpu.vector_load %arg8[%parallel_loop3A_275, %parallel_loop3A_276] {strides = array<i32>} : memref<128x64xf32, #tpu.memory_space<vmem>>, vector<1x16xf32>,
        %parallel_loop3A_278 = vector.shape_cast %parallel_loop3A_277 : vector<1x16xf32> to vector<16xf32>
        %parallel_loop3A_279 = arith.constant 8.000000e+00 : f32
        %parallel_loop3A_280 = vector.broadcast %parallel_loop3A_279 : f32 to vector<16xf32>
        %parallel_loop3A_281 = arith.mulf %parallel_loop3A_278, %parallel_loop3A_280 : vector<16xf32>
        %parallel_loop3A_282 = arith.constant 64 : i32
        %parallel_loop3A_283 = arith.muli %parallel_loop3A_202, %parallel_loop3A_282 : i32
        %parallel_loop3A_284 = arith.addi %mul3A_113, %parallel_loop3A_283 : i32
        %parallel_loop3A_285 = arith.constant 48 : i32
        %parallel_loop3A_286 = arith.addi %parallel_loop3A_284, %parallel_loop3A_285 : i32
        %parallel_loop3A_287 = arith.index_cast %parallel_loop3A_286 : i32 to index
        %parallel_loop3A_288 = tpu.vector_load %arg15[%parallel_loop3A_287] {strides = array<i32>} : memref<25600xf32, #tpu.memory_space<vmem>>, vector<16xf32>,
        %parallel_loop3A_289 = vector.shape_cast %parallel_loop3A_288 : vector<16xf32> to vector<16xf32>
        %parallel_loop3A_290 = arith.addf %parallel_loop3A_281, %parallel_loop3A_289 : vector<16xf32>
        %parallel_loop3A_291 = arith.constant 64 : i32
        %parallel_loop3A_292 = arith.muli %parallel_loop3A_202, %parallel_loop3A_291 : i32
        %parallel_loop3A_293 = arith.constant 48 : i32
        %parallel_loop3A_294 = arith.addi %parallel_loop3A_292, %parallel_loop3A_293 : i32
        %parallel_loop3A_295 = arith.index_cast %parallel_loop3A_294 : i32 to index
        %parallel_loop3A_296 = tpu.vector_load %arg12[%parallel_loop3A_295] {strides = array<i32>} : memref<8192xf32, #tpu.memory_space<vmem>>, vector<16xf32>,
        %parallel_loop3A_297 = vector.shape_cast %parallel_loop3A_296 : vector<16xf32> to vector<16xf32>
        %parallel_loop3A_298 = vector.shape_cast %parallel_loop3A_290 : vector<16xf32> to vector<16xf32>
        tpu.vector_store %arg12[%parallel_loop3A_295], %parallel_loop3A_298 {strides = array<i32>} : memref<8192xf32, #tpu.memory_space<vmem>>, vector<16xf32>,
      } {sc.loop_unroll_factor = 4 : i64, sc.parallel_access}
      %lt3A_117 = arith.constant 49 : i32
      %lt3A_118 = arith.cmpi slt, %scan3A_61, %lt3A_117 : i32
      %convert_element_type3A_119 = arith.extui %lt3A_118 : i1 to i32
      %cond3A_120 = arith.constant 0 : i32
      %cond3A_121 = arith.cmpi ne, %convert_element_type3A_119, %cond3A_120 : i32
      scf.if %cond3A_121 {
        %add3A_202 = arith.constant 4 : i32
        %add3A_203 = arith.addi %add3A_96, %add3A_202 : i32
        %dma_start3A_204 = arith.constant 0 : i32
        %dma_start3A_205 = tpu.memref_slice %arg6[%add3A_203, %dma_start3A_204] : memref<200x128xi32, #tpu.memory_space<vmem>> -> memref<1x128xi32, #tpu.memory_space<vmem>>
        %dma_start3A_206 = tpu.memref_squeeze %dma_start3A_205 : memref<1x128xi32, #tpu.memory_space<vmem>> -> memref<128xi32, #tpu.memory_space<vmem>>
        %dma_start3A_207 = arith.constant 0 : i32
        %dma_start3A_208 = arith.constant 0 : i32
        %dma_start3A_209 = tpu.memref_slice %arg3[%dma_start3A_207, %dma_start3A_208] : memref<1000000x64xf32, #tpu.memory_space<hbm>> -> memref<1000000x64xf32, #tpu.memory_space<hbm>>
        tpu.enqueue_indirect_dma source(%dma_start3A_209 : memref<1000000x64xf32, #tpu.memory_space<hbm>>) target(%arg8 : memref<128x64xf32, #tpu.memory_space<vmem>>) offsets(%dma_start3A_206 : memref<128xi32, #tpu.memory_space<vmem>>) semaphore(%arg17 : memref<!tpu.dma_semaphore, #tpu.memory_space<semaphore_mem>>)
      } else {
      }
      %mul3A_122 = arith.constant 128 : i32
      %mul3A_123 = arith.muli %add3A_96, %mul3A_122 : i32
      %add3A_124 = arith.addi %mul3A_4, %mul3A_123 : i32
      %mul3A_125 = arith.constant 64 : i32
      %mul3A_126 = arith.muli %add3A_124, %mul3A_125 : i32
      %dma_start3A_127 = tpu.memref_slice %arg5[%mul3A_126] : memref<52428800xf32, #tpu.memory_space<hbm>> -> memref<8192xf32, #tpu.memory_space<hbm>>
      %dma_start3A_128 = tpu.memref_slice %arg5[%mul3A_126] : memref<52428800xf32, #tpu.memory_space<hbm>> -> memref<8192xf32, #tpu.memory_space<hbm>>
      tpu.enqueue_dma source(%arg12 : memref<8192xf32, #tpu.memory_space<vmem>>) target(%dma_start3A_128 : memref<8192xf32, #tpu.memory_space<hbm>>) target_semaphore(%arg21 : memref<!tpu.dma_semaphore, #tpu.memory_space<semaphore_mem>>)
      %mul3A_129 = arith.constant 4 : i32
      %mul3A_130 = arith.muli %mul3A_129, %scan3A_61 : i32
      %add3A_131 = arith.constant 2 : i32
      %add3A_132 = arith.addi %mul3A_130, %add3A_131 : i32
      %dma_wait3A_133 = arith.constant 0 : i32
      %dma_wait3A_134 = tpu.memref_slice %arg6[%add3A_132, %dma_wait3A_133] : memref<200x128xi32, #tpu.memory_space<vmem>> -> memref<1x128xi32, #tpu.memory_space<vmem>>
      %dma_wait3A_135 = tpu.memref_squeeze %dma_wait3A_134 : memref<1x128xi32, #tpu.memory_space<vmem>> -> memref<128xi32, #tpu.memory_space<vmem>>
      %dma_wait3A_136 = arith.constant 0 : i32
      %dma_wait3A_137 = arith.constant 0 : i32
      %dma_wait3A_138 = tpu.memref_slice %arg3[%dma_wait3A_136, %dma_wait3A_137] : memref<1000000x64xf32, #tpu.memory_space<hbm>> -> memref<1000000x64xf32, #tpu.memory_space<hbm>>
      tpu.wait_indirect_dma semaphore(%arg18 : memref<!tpu.dma_semaphore, #tpu.memory_space<semaphore_mem>>) src(%dma_wait3A_138 : memref<1000000x64xf32, #tpu.memory_space<hbm>>) dst(%arg9 : memref<128x64xf32, #tpu.memory_space<vmem>>)
      %ge3A_139 = arith.constant 1 : i32
      %ge3A_140 = arith.cmpi sge, %scan3A_61, %ge3A_139 : i32
      %convert_element_type3A_141 = arith.extui %ge3A_140 : i1 to i32
      %cond3A_142 = arith.constant 0 : i32
      %cond3A_143 = arith.cmpi ne, %convert_element_type3A_141, %cond3A_142 : i32
      scf.if %cond3A_143 {
        %sub3A = arith.constant 4 : i32
        %sub3A_202 = arith.subi %add3A_132, %sub3A : i32
        %mul3A_203 = arith.constant 128 : i32
        %mul3A_204 = arith.muli %sub3A_202, %mul3A_203 : i32
        %add3A_205 = arith.addi %mul3A_4, %mul3A_204 : i32
        %mul3A_206 = arith.constant 64 : i32
        %mul3A_207 = arith.muli %add3A_205, %mul3A_206 : i32
        %dma_wait3A_208 = tpu.memref_slice %arg5[%mul3A_207] : memref<52428800xf32, #tpu.memory_space<hbm>> -> memref<8192xf32, #tpu.memory_space<hbm>>
        %dma_wait3A_209 = tpu.memref_slice %arg5[%mul3A_207] : memref<52428800xf32, #tpu.memory_space<hbm>> -> memref<8192xf32, #tpu.memory_space<hbm>>
        tpu.wait_dma2 semaphore(%arg22 : memref<!tpu.dma_semaphore, #tpu.memory_space<semaphore_mem>>) src(%arg13 : memref<8192xf32, #tpu.memory_space<vmem>>) dst(%dma_wait3A_209 : memref<8192xf32, #tpu.memory_space<hbm>>)
      } else {
      }
      %mul3A_144 = arith.constant 128 : i32
      %mul3A_145 = arith.muli %add3A_132, %mul3A_144 : i32
      %rem3A_146 = arith.constant 200 : i32
      %rem3A_147 = arith.remsi %mul3A_145, %rem3A_146 : i32
      %mul3A_148 = arith.constant 64 : i32
      %mul3A_149 = arith.muli %rem3A_147, %mul3A_148 : i32
      %parallel_loop3A_150 = arith.constant 0 : i32
      %parallel_loop3A_151 = arith.constant 128 : i32
      %parallel_loop3A_152 = arith.constant 1 : i32
      scf.for %parallel_loop3A_202 = %parallel_loop3A_150 to %parallel_loop3A_151 step %parallel_loop3A_152  : i32 {
        %parallel_loop3A_203 = arith.index_cast %parallel_loop3A_202 : i32 to index
        %parallel_loop3A_204 = arith.constant 0 : index
        %parallel_loop3A_205 = tpu.vector_load %arg9[%parallel_loop3A_203, %parallel_loop3A_204] {strides = array<i32>} : memref<128x64xf32, #tpu.memory_space<vmem>>, vector<1x16xf32>,
        %parallel_loop3A_206 = vector.shape_cast %parallel_loop3A_205 : vector<1x16xf32> to vector<16xf32>
        %parallel_loop3A_207 = arith.constant 8.000000e+00 : f32
        %parallel_loop3A_208 = vector.broadcast %parallel_loop3A_207 : f32 to vector<16xf32>
        %parallel_loop3A_209 = arith.mulf %parallel_loop3A_206, %parallel_loop3A_208 : vector<16xf32>
        %parallel_loop3A_210 = arith.constant 64 : i32
        %parallel_loop3A_211 = arith.muli %parallel_loop3A_202, %parallel_loop3A_210 : i32
        %parallel_loop3A_212 = arith.addi %mul3A_149, %parallel_loop3A_211 : i32
        %parallel_loop3A_213 = arith.constant 0 : i32
        %parallel_loop3A_214 = arith.addi %parallel_loop3A_212, %parallel_loop3A_213 : i32
        %parallel_loop3A_215 = arith.index_cast %parallel_loop3A_214 : i32 to index
        %parallel_loop3A_216 = tpu.vector_load %arg15[%parallel_loop3A_215] {strides = array<i32>} : memref<25600xf32, #tpu.memory_space<vmem>>, vector<16xf32>,
        %parallel_loop3A_217 = vector.shape_cast %parallel_loop3A_216 : vector<16xf32> to vector<16xf32>
        %parallel_loop3A_218 = arith.addf %parallel_loop3A_209, %parallel_loop3A_217 : vector<16xf32>
        %parallel_loop3A_219 = arith.constant 64 : i32
        %parallel_loop3A_220 = arith.muli %parallel_loop3A_202, %parallel_loop3A_219 : i32
        %parallel_loop3A_221 = arith.constant 0 : i32
        %parallel_loop3A_222 = arith.addi %parallel_loop3A_220, %parallel_loop3A_221 : i32
        %parallel_loop3A_223 = arith.index_cast %parallel_loop3A_222 : i32 to index
        %parallel_loop3A_224 = tpu.vector_load %arg13[%parallel_loop3A_223] {strides = array<i32>} : memref<8192xf32, #tpu.memory_space<vmem>>, vector<16xf32>,
        %parallel_loop3A_225 = vector.shape_cast %parallel_loop3A_224 : vector<16xf32> to vector<16xf32>
        %parallel_loop3A_226 = vector.shape_cast %parallel_loop3A_218 : vector<16xf32> to vector<16xf32>
        tpu.vector_store %arg13[%parallel_loop3A_223], %parallel_loop3A_226 {strides = array<i32>} : memref<8192xf32, #tpu.memory_space<vmem>>, vector<16xf32>,
        %parallel_loop3A_227 = arith.index_cast %parallel_loop3A_202 : i32 to index
        %parallel_loop3A_228 = arith.constant 16 : index
        %parallel_loop3A_229 = tpu.vector_load %arg9[%parallel_loop3A_227, %parallel_loop3A_228] {strides = array<i32>} : memref<128x64xf32, #tpu.memory_space<vmem>>, vector<1x16xf32>,
        %parallel_loop3A_230 = vector.shape_cast %parallel_loop3A_229 : vector<1x16xf32> to vector<16xf32>
        %parallel_loop3A_231 = arith.constant 8.000000e+00 : f32
        %parallel_loop3A_232 = vector.broadcast %parallel_loop3A_231 : f32 to vector<16xf32>
        %parallel_loop3A_233 = arith.mulf %parallel_loop3A_230, %parallel_loop3A_232 : vector<16xf32>
        %parallel_loop3A_234 = arith.constant 64 : i32
        %parallel_loop3A_235 = arith.muli %parallel_loop3A_202, %parallel_loop3A_234 : i32
        %parallel_loop3A_236 = arith.addi %mul3A_149, %parallel_loop3A_235 : i32
        %parallel_loop3A_237 = arith.constant 16 : i32
        %parallel_loop3A_238 = arith.addi %parallel_loop3A_236, %parallel_loop3A_237 : i32
        %parallel_loop3A_239 = arith.index_cast %parallel_loop3A_238 : i32 to index
        %parallel_loop3A_240 = tpu.vector_load %arg15[%parallel_loop3A_239] {strides = array<i32>} : memref<25600xf32, #tpu.memory_space<vmem>>, vector<16xf32>,
        %parallel_loop3A_241 = vector.shape_cast %parallel_loop3A_240 : vector<16xf32> to vector<16xf32>
        %parallel_loop3A_242 = arith.addf %parallel_loop3A_233, %parallel_loop3A_241 : vector<16xf32>
        %parallel_loop3A_243 = arith.constant 64 : i32
        %parallel_loop3A_244 = arith.muli %parallel_loop3A_202, %parallel_loop3A_243 : i32
        %parallel_loop3A_245 = arith.constant 16 : i32
        %parallel_loop3A_246 = arith.addi %parallel_loop3A_244, %parallel_loop3A_245 : i32
        %parallel_loop3A_247 = arith.index_cast %parallel_loop3A_246 : i32 to index
        %parallel_loop3A_248 = tpu.vector_load %arg13[%parallel_loop3A_247] {strides = array<i32>} : memref<8192xf32, #tpu.memory_space<vmem>>, vector<16xf32>,
        %parallel_loop3A_249 = vector.shape_cast %parallel_loop3A_248 : vector<16xf32> to vector<16xf32>
        %parallel_loop3A_250 = vector.shape_cast %parallel_loop3A_242 : vector<16xf32> to vector<16xf32>
        tpu.vector_store %arg13[%parallel_loop3A_247], %parallel_loop3A_250 {strides = array<i32>} : memref<8192xf32, #tpu.memory_space<vmem>>, vector<16xf32>,
        %parallel_loop3A_251 = arith.index_cast %parallel_loop3A_202 : i32 to index
        %parallel_loop3A_252 = arith.constant 32 : index
        %parallel_loop3A_253 = tpu.vector_load %arg9[%parallel_loop3A_251, %parallel_loop3A_252] {strides = array<i32>} : memref<128x64xf32, #tpu.memory_space<vmem>>, vector<1x16xf32>,
        %parallel_loop3A_254 = vector.shape_cast %parallel_loop3A_253 : vector<1x16xf32> to vector<16xf32>
        %parallel_loop3A_255 = arith.constant 8.000000e+00 : f32
        %parallel_loop3A_256 = vector.broadcast %parallel_loop3A_255 : f32 to vector<16xf32>
        %parallel_loop3A_257 = arith.mulf %parallel_loop3A_254, %parallel_loop3A_256 : vector<16xf32>
        %parallel_loop3A_258 = arith.constant 64 : i32
        %parallel_loop3A_259 = arith.muli %parallel_loop3A_202, %parallel_loop3A_258 : i32
        %parallel_loop3A_260 = arith.addi %mul3A_149, %parallel_loop3A_259 : i32
        %parallel_loop3A_261 = arith.constant 32 : i32
        %parallel_loop3A_262 = arith.addi %parallel_loop3A_260, %parallel_loop3A_261 : i32
        %parallel_loop3A_263 = arith.index_cast %parallel_loop3A_262 : i32 to index
        %parallel_loop3A_264 = tpu.vector_load %arg15[%parallel_loop3A_263] {strides = array<i32>} : memref<25600xf32, #tpu.memory_space<vmem>>, vector<16xf32>,
        %parallel_loop3A_265 = vector.shape_cast %parallel_loop3A_264 : vector<16xf32> to vector<16xf32>
        %parallel_loop3A_266 = arith.addf %parallel_loop3A_257, %parallel_loop3A_265 : vector<16xf32>
        %parallel_loop3A_267 = arith.constant 64 : i32
        %parallel_loop3A_268 = arith.muli %parallel_loop3A_202, %parallel_loop3A_267 : i32
        %parallel_loop3A_269 = arith.constant 32 : i32
        %parallel_loop3A_270 = arith.addi %parallel_loop3A_268, %parallel_loop3A_269 : i32
        %parallel_loop3A_271 = arith.index_cast %parallel_loop3A_270 : i32 to index
        %parallel_loop3A_272 = tpu.vector_load %arg13[%parallel_loop3A_271] {strides = array<i32>} : memref<8192xf32, #tpu.memory_space<vmem>>, vector<16xf32>,
        %parallel_loop3A_273 = vector.shape_cast %parallel_loop3A_272 : vector<16xf32> to vector<16xf32>
        %parallel_loop3A_274 = vector.shape_cast %parallel_loop3A_266 : vector<16xf32> to vector<16xf32>
        tpu.vector_store %arg13[%parallel_loop3A_271], %parallel_loop3A_274 {strides = array<i32>} : memref<8192xf32, #tpu.memory_space<vmem>>, vector<16xf32>,
        %parallel_loop3A_275 = arith.index_cast %parallel_loop3A_202 : i32 to index
        %parallel_loop3A_276 = arith.constant 48 : index
        %parallel_loop3A_277 = tpu.vector_load %arg9[%parallel_loop3A_275, %parallel_loop3A_276] {strides = array<i32>} : memref<128x64xf32, #tpu.memory_space<vmem>>, vector<1x16xf32>,
        %parallel_loop3A_278 = vector.shape_cast %parallel_loop3A_277 : vector<1x16xf32> to vector<16xf32>
        %parallel_loop3A_279 = arith.constant 8.000000e+00 : f32
        %parallel_loop3A_280 = vector.broadcast %parallel_loop3A_279 : f32 to vector<16xf32>
        %parallel_loop3A_281 = arith.mulf %parallel_loop3A_278, %parallel_loop3A_280 : vector<16xf32>
        %parallel_loop3A_282 = arith.constant 64 : i32
        %parallel_loop3A_283 = arith.muli %parallel_loop3A_202, %parallel_loop3A_282 : i32
        %parallel_loop3A_284 = arith.addi %mul3A_149, %parallel_loop3A_283 : i32
        %parallel_loop3A_285 = arith.constant 48 : i32
        %parallel_loop3A_286 = arith.addi %parallel_loop3A_284, %parallel_loop3A_285 : i32
        %parallel_loop3A_287 = arith.index_cast %parallel_loop3A_286 : i32 to index
        %parallel_loop3A_288 = tpu.vector_load %arg15[%parallel_loop3A_287] {strides = array<i32>} : memref<25600xf32, #tpu.memory_space<vmem>>, vector<16xf32>,
        %parallel_loop3A_289 = vector.shape_cast %parallel_loop3A_288 : vector<16xf32> to vector<16xf32>
        %parallel_loop3A_290 = arith.addf %parallel_loop3A_281, %parallel_loop3A_289 : vector<16xf32>
        %parallel_loop3A_291 = arith.constant 64 : i32
        %parallel_loop3A_292 = arith.muli %parallel_loop3A_202, %parallel_loop3A_291 : i32
        %parallel_loop3A_293 = arith.constant 48 : i32
        %parallel_loop3A_294 = arith.addi %parallel_loop3A_292, %parallel_loop3A_293 : i32
        %parallel_loop3A_295 = arith.index_cast %parallel_loop3A_294 : i32 to index
        %parallel_loop3A_296 = tpu.vector_load %arg13[%parallel_loop3A_295] {strides = array<i32>} : memref<8192xf32, #tpu.memory_space<vmem>>, vector<16xf32>,
        %parallel_loop3A_297 = vector.shape_cast %parallel_loop3A_296 : vector<16xf32> to vector<16xf32>
        %parallel_loop3A_298 = vector.shape_cast %parallel_loop3A_290 : vector<16xf32> to vector<16xf32>
        tpu.vector_store %arg13[%parallel_loop3A_295], %parallel_loop3A_298 {strides = array<i32>} : memref<8192xf32, #tpu.memory_space<vmem>>, vector<16xf32>,
      } {sc.loop_unroll_factor = 4 : i64, sc.parallel_access}
      %lt3A_153 = arith.constant 49 : i32
      %lt3A_154 = arith.cmpi slt, %scan3A_61, %lt3A_153 : i32
      %convert_element_type3A_155 = arith.extui %lt3A_154 : i1 to i32
      %cond3A_156 = arith.constant 0 : i32
      %cond3A_157 = arith.cmpi ne, %convert_element_type3A_155, %cond3A_156 : i32
      scf.if %cond3A_157 {
        %add3A_202 = arith.constant 4 : i32
        %add3A_203 = arith.addi %add3A_132, %add3A_202 : i32
        %dma_start3A_204 = arith.constant 0 : i32
        %dma_start3A_205 = tpu.memref_slice %arg6[%add3A_203, %dma_start3A_204] : memref<200x128xi32, #tpu.memory_space<vmem>> -> memref<1x128xi32, #tpu.memory_space<vmem>>
        %dma_start3A_206 = tpu.memref_squeeze %dma_start3A_205 : memref<1x128xi32, #tpu.memory_space<vmem>> -> memref<128xi32, #tpu.memory_space<vmem>>
        %dma_start3A_207 = arith.constant 0 : i32
        %dma_start3A_208 = arith.constant 0 : i32
        %dma_start3A_209 = tpu.memref_slice %arg3[%dma_start3A_207, %dma_start3A_208] : memref<1000000x64xf32, #tpu.memory_space<hbm>> -> memref<1000000x64xf32, #tpu.memory_space<hbm>>
        tpu.enqueue_indirect_dma source(%dma_start3A_209 : memref<1000000x64xf32, #tpu.memory_space<hbm>>) target(%arg9 : memref<128x64xf32, #tpu.memory_space<vmem>>) offsets(%dma_start3A_206 : memref<128xi32, #tpu.memory_space<vmem>>) semaphore(%arg18 : memref<!tpu.dma_semaphore, #tpu.memory_space<semaphore_mem>>)
      } else {
      }
      %mul3A_158 = arith.constant 128 : i32
      %mul3A_159 = arith.muli %add3A_132, %mul3A_158 : i32
      %add3A_160 = arith.addi %mul3A_4, %mul3A_159 : i32
      %mul3A_161 = arith.constant 64 : i32
      %mul3A_162 = arith.muli %add3A_160, %mul3A_161 : i32
      %dma_start3A_163 = tpu.memref_slice %arg5[%mul3A_162] : memref<52428800xf32, #tpu.memory_space<hbm>> -> memref<8192xf32, #tpu.memory_space<hbm>>
      %dma_start3A_164 = tpu.memref_slice %arg5[%mul3A_162] : memref<52428800xf32, #tpu.memory_space<hbm>> -> memref<8192xf32, #tpu.memory_space<hbm>>
      tpu.enqueue_dma source(%arg13 : memref<8192xf32, #tpu.memory_space<vmem>>) target(%dma_start3A_164 : memref<8192xf32, #tpu.memory_space<hbm>>) target_semaphore(%arg22 : memref<!tpu.dma_semaphore, #tpu.memory_space<semaphore_mem>>)
      %mul3A_165 = arith.constant 4 : i32
      %mul3A_166 = arith.muli %mul3A_165, %scan3A_61 : i32
      %add3A_167 = arith.constant 3 : i32
      %add3A_168 = arith.addi %mul3A_166, %add3A_167 : i32
      %dma_wait3A_169 = arith.constant 0 : i32
      %dma_wait3A_170 = tpu.memref_slice %arg6[%add3A_168, %dma_wait3A_169] : memref<200x128xi32, #tpu.memory_space<vmem>> -> memref<1x128xi32, #tpu.memory_space<vmem>>
      %dma_wait3A_171 = tpu.memref_squeeze %dma_wait3A_170 : memref<1x128xi32, #tpu.memory_space<vmem>> -> memref<128xi32, #tpu.memory_space<vmem>>
      %dma_wait3A_172 = arith.constant 0 : i32
      %dma_wait3A_173 = arith.constant 0 : i32
      %dma_wait3A_174 = tpu.memref_slice %arg3[%dma_wait3A_172, %dma_wait3A_173] : memref<1000000x64xf32, #tpu.memory_space<hbm>> -> memref<1000000x64xf32, #tpu.memory_space<hbm>>
      tpu.wait_indirect_dma semaphore(%arg19 : memref<!tpu.dma_semaphore, #tpu.memory_space<semaphore_mem>>) src(%dma_wait3A_174 : memref<1000000x64xf32, #tpu.memory_space<hbm>>) dst(%arg10 : memref<128x64xf32, #tpu.memory_space<vmem>>)
      %ge3A_175 = arith.constant 1 : i32
      %ge3A_176 = arith.cmpi sge, %scan3A_61, %ge3A_175 : i32
      %convert_element_type3A_177 = arith.extui %ge3A_176 : i1 to i32
      %cond3A_178 = arith.constant 0 : i32
      %cond3A_179 = arith.cmpi ne, %convert_element_type3A_177, %cond3A_178 : i32
      scf.if %cond3A_179 {
        %sub3A = arith.constant 4 : i32
        %sub3A_202 = arith.subi %add3A_168, %sub3A : i32
        %mul3A_203 = arith.constant 128 : i32
        %mul3A_204 = arith.muli %sub3A_202, %mul3A_203 : i32
        %add3A_205 = arith.addi %mul3A_4, %mul3A_204 : i32
        %mul3A_206 = arith.constant 64 : i32
        %mul3A_207 = arith.muli %add3A_205, %mul3A_206 : i32
        %dma_wait3A_208 = tpu.memref_slice %arg5[%mul3A_207] : memref<52428800xf32, #tpu.memory_space<hbm>> -> memref<8192xf32, #tpu.memory_space<hbm>>
        %dma_wait3A_209 = tpu.memref_slice %arg5[%mul3A_207] : memref<52428800xf32, #tpu.memory_space<hbm>> -> memref<8192xf32, #tpu.memory_space<hbm>>
        tpu.wait_dma2 semaphore(%arg23 : memref<!tpu.dma_semaphore, #tpu.memory_space<semaphore_mem>>) src(%arg14 : memref<8192xf32, #tpu.memory_space<vmem>>) dst(%dma_wait3A_209 : memref<8192xf32, #tpu.memory_space<hbm>>)
      } else {
      }
      %mul3A_180 = arith.constant 128 : i32
      %mul3A_181 = arith.muli %add3A_168, %mul3A_180 : i32
      %rem3A_182 = arith.constant 200 : i32
      %rem3A_183 = arith.remsi %mul3A_181, %rem3A_182 : i32
      %mul3A_184 = arith.constant 64 : i32
      %mul3A_185 = arith.muli %rem3A_183, %mul3A_184 : i32
      %parallel_loop3A_186 = arith.constant 0 : i32
      %parallel_loop3A_187 = arith.constant 128 : i32
      %parallel_loop3A_188 = arith.constant 1 : i32
      scf.for %parallel_loop3A_202 = %parallel_loop3A_186 to %parallel_loop3A_187 step %parallel_loop3A_188  : i32 {
        %parallel_loop3A_203 = arith.index_cast %parallel_loop3A_202 : i32 to index
        %parallel_loop3A_204 = arith.constant 0 : index
        %parallel_loop3A_205 = tpu.vector_load %arg10[%parallel_loop3A_203, %parallel_loop3A_204] {strides = array<i32>} : memref<128x64xf32, #tpu.memory_space<vmem>>, vector<1x16xf32>,
        %parallel_loop3A_206 = vector.shape_cast %parallel_loop3A_205 : vector<1x16xf32> to vector<16xf32>
        %parallel_loop3A_207 = arith.constant 8.000000e+00 : f32
        %parallel_loop3A_208 = vector.broadcast %parallel_loop3A_207 : f32 to vector<16xf32>
        %parallel_loop3A_209 = arith.mulf %parallel_loop3A_206, %parallel_loop3A_208 : vector<16xf32>
        %parallel_loop3A_210 = arith.constant 64 : i32
        %parallel_loop3A_211 = arith.muli %parallel_loop3A_202, %parallel_loop3A_210 : i32
        %parallel_loop3A_212 = arith.addi %mul3A_185, %parallel_loop3A_211 : i32
        %parallel_loop3A_213 = arith.constant 0 : i32
        %parallel_loop3A_214 = arith.addi %parallel_loop3A_212, %parallel_loop3A_213 : i32
        %parallel_loop3A_215 = arith.index_cast %parallel_loop3A_214 : i32 to index
        %parallel_loop3A_216 = tpu.vector_load %arg15[%parallel_loop3A_215] {strides = array<i32>} : memref<25600xf32, #tpu.memory_space<vmem>>, vector<16xf32>,
        %parallel_loop3A_217 = vector.shape_cast %parallel_loop3A_216 : vector<16xf32> to vector<16xf32>
        %parallel_loop3A_218 = arith.addf %parallel_loop3A_209, %parallel_loop3A_217 : vector<16xf32>
        %parallel_loop3A_219 = arith.constant 64 : i32
        %parallel_loop3A_220 = arith.muli %parallel_loop3A_202, %parallel_loop3A_219 : i32
        %parallel_loop3A_221 = arith.constant 0 : i32
        %parallel_loop3A_222 = arith.addi %parallel_loop3A_220, %parallel_loop3A_221 : i32
        %parallel_loop3A_223 = arith.index_cast %parallel_loop3A_222 : i32 to index
        %parallel_loop3A_224 = tpu.vector_load %arg14[%parallel_loop3A_223] {strides = array<i32>} : memref<8192xf32, #tpu.memory_space<vmem>>, vector<16xf32>,
        %parallel_loop3A_225 = vector.shape_cast %parallel_loop3A_224 : vector<16xf32> to vector<16xf32>
        %parallel_loop3A_226 = vector.shape_cast %parallel_loop3A_218 : vector<16xf32> to vector<16xf32>
        tpu.vector_store %arg14[%parallel_loop3A_223], %parallel_loop3A_226 {strides = array<i32>} : memref<8192xf32, #tpu.memory_space<vmem>>, vector<16xf32>,
        %parallel_loop3A_227 = arith.index_cast %parallel_loop3A_202 : i32 to index
        %parallel_loop3A_228 = arith.constant 16 : index
        %parallel_loop3A_229 = tpu.vector_load %arg10[%parallel_loop3A_227, %parallel_loop3A_228] {strides = array<i32>} : memref<128x64xf32, #tpu.memory_space<vmem>>, vector<1x16xf32>,
        %parallel_loop3A_230 = vector.shape_cast %parallel_loop3A_229 : vector<1x16xf32> to vector<16xf32>
        %parallel_loop3A_231 = arith.constant 8.000000e+00 : f32
        %parallel_loop3A_232 = vector.broadcast %parallel_loop3A_231 : f32 to vector<16xf32>
        %parallel_loop3A_233 = arith.mulf %parallel_loop3A_230, %parallel_loop3A_232 : vector<16xf32>
        %parallel_loop3A_234 = arith.constant 64 : i32
        %parallel_loop3A_235 = arith.muli %parallel_loop3A_202, %parallel_loop3A_234 : i32
        %parallel_loop3A_236 = arith.addi %mul3A_185, %parallel_loop3A_235 : i32
        %parallel_loop3A_237 = arith.constant 16 : i32
        %parallel_loop3A_238 = arith.addi %parallel_loop3A_236, %parallel_loop3A_237 : i32
        %parallel_loop3A_239 = arith.index_cast %parallel_loop3A_238 : i32 to index
        %parallel_loop3A_240 = tpu.vector_load %arg15[%parallel_loop3A_239] {strides = array<i32>} : memref<25600xf32, #tpu.memory_space<vmem>>, vector<16xf32>,
        %parallel_loop3A_241 = vector.shape_cast %parallel_loop3A_240 : vector<16xf32> to vector<16xf32>
        %parallel_loop3A_242 = arith.addf %parallel_loop3A_233, %parallel_loop3A_241 : vector<16xf32>
        %parallel_loop3A_243 = arith.constant 64 : i32
        %parallel_loop3A_244 = arith.muli %parallel_loop3A_202, %parallel_loop3A_243 : i32
        %parallel_loop3A_245 = arith.constant 16 : i32
        %parallel_loop3A_246 = arith.addi %parallel_loop3A_244, %parallel_loop3A_245 : i32
        %parallel_loop3A_247 = arith.index_cast %parallel_loop3A_246 : i32 to index
        %parallel_loop3A_248 = tpu.vector_load %arg14[%parallel_loop3A_247] {strides = array<i32>} : memref<8192xf32, #tpu.memory_space<vmem>>, vector<16xf32>,
        %parallel_loop3A_249 = vector.shape_cast %parallel_loop3A_248 : vector<16xf32> to vector<16xf32>
        %parallel_loop3A_250 = vector.shape_cast %parallel_loop3A_242 : vector<16xf32> to vector<16xf32>
        tpu.vector_store %arg14[%parallel_loop3A_247], %parallel_loop3A_250 {strides = array<i32>} : memref<8192xf32, #tpu.memory_space<vmem>>, vector<16xf32>,
        %parallel_loop3A_251 = arith.index_cast %parallel_loop3A_202 : i32 to index
        %parallel_loop3A_252 = arith.constant 32 : index
        %parallel_loop3A_253 = tpu.vector_load %arg10[%parallel_loop3A_251, %parallel_loop3A_252] {strides = array<i32>} : memref<128x64xf32, #tpu.memory_space<vmem>>, vector<1x16xf32>,
        %parallel_loop3A_254 = vector.shape_cast %parallel_loop3A_253 : vector<1x16xf32> to vector<16xf32>
        %parallel_loop3A_255 = arith.constant 8.000000e+00 : f32
        %parallel_loop3A_256 = vector.broadcast %parallel_loop3A_255 : f32 to vector<16xf32>
        %parallel_loop3A_257 = arith.mulf %parallel_loop3A_254, %parallel_loop3A_256 : vector<16xf32>
        %parallel_loop3A_258 = arith.constant 64 : i32
        %parallel_loop3A_259 = arith.muli %parallel_loop3A_202, %parallel_loop3A_258 : i32
        %parallel_loop3A_260 = arith.addi %mul3A_185, %parallel_loop3A_259 : i32
        %parallel_loop3A_261 = arith.constant 32 : i32
        %parallel_loop3A_262 = arith.addi %parallel_loop3A_260, %parallel_loop3A_261 : i32
        %parallel_loop3A_263 = arith.index_cast %parallel_loop3A_262 : i32 to index
        %parallel_loop3A_264 = tpu.vector_load %arg15[%parallel_loop3A_263] {strides = array<i32>} : memref<25600xf32, #tpu.memory_space<vmem>>, vector<16xf32>,
        %parallel_loop3A_265 = vector.shape_cast %parallel_loop3A_264 : vector<16xf32> to vector<16xf32>
        %parallel_loop3A_266 = arith.addf %parallel_loop3A_257, %parallel_loop3A_265 : vector<16xf32>
        %parallel_loop3A_267 = arith.constant 64 : i32
        %parallel_loop3A_268 = arith.muli %parallel_loop3A_202, %parallel_loop3A_267 : i32
        %parallel_loop3A_269 = arith.constant 32 : i32
        %parallel_loop3A_270 = arith.addi %parallel_loop3A_268, %parallel_loop3A_269 : i32
        %parallel_loop3A_271 = arith.index_cast %parallel_loop3A_270 : i32 to index
        %parallel_loop3A_272 = tpu.vector_load %arg14[%parallel_loop3A_271] {strides = array<i32>} : memref<8192xf32, #tpu.memory_space<vmem>>, vector<16xf32>,
        %parallel_loop3A_273 = vector.shape_cast %parallel_loop3A_272 : vector<16xf32> to vector<16xf32>
        %parallel_loop3A_274 = vector.shape_cast %parallel_loop3A_266 : vector<16xf32> to vector<16xf32>
        tpu.vector_store %arg14[%parallel_loop3A_271], %parallel_loop3A_274 {strides = array<i32>} : memref<8192xf32, #tpu.memory_space<vmem>>, vector<16xf32>,
        %parallel_loop3A_275 = arith.index_cast %parallel_loop3A_202 : i32 to index
        %parallel_loop3A_276 = arith.constant 48 : index
        %parallel_loop3A_277 = tpu.vector_load %arg10[%parallel_loop3A_275, %parallel_loop3A_276] {strides = array<i32>} : memref<128x64xf32, #tpu.memory_space<vmem>>, vector<1x16xf32>,
        %parallel_loop3A_278 = vector.shape_cast %parallel_loop3A_277 : vector<1x16xf32> to vector<16xf32>
        %parallel_loop3A_279 = arith.constant 8.000000e+00 : f32
        %parallel_loop3A_280 = vector.broadcast %parallel_loop3A_279 : f32 to vector<16xf32>
        %parallel_loop3A_281 = arith.mulf %parallel_loop3A_278, %parallel_loop3A_280 : vector<16xf32>
        %parallel_loop3A_282 = arith.constant 64 : i32
        %parallel_loop3A_283 = arith.muli %parallel_loop3A_202, %parallel_loop3A_282 : i32
        %parallel_loop3A_284 = arith.addi %mul3A_185, %parallel_loop3A_283 : i32
        %parallel_loop3A_285 = arith.constant 48 : i32
        %parallel_loop3A_286 = arith.addi %parallel_loop3A_284, %parallel_loop3A_285 : i32
        %parallel_loop3A_287 = arith.index_cast %parallel_loop3A_286 : i32 to index
        %parallel_loop3A_288 = tpu.vector_load %arg15[%parallel_loop3A_287] {strides = array<i32>} : memref<25600xf32, #tpu.memory_space<vmem>>, vector<16xf32>,
        %parallel_loop3A_289 = vector.shape_cast %parallel_loop3A_288 : vector<16xf32> to vector<16xf32>
        %parallel_loop3A_290 = arith.addf %parallel_loop3A_281, %parallel_loop3A_289 : vector<16xf32>
        %parallel_loop3A_291 = arith.constant 64 : i32
        %parallel_loop3A_292 = arith.muli %parallel_loop3A_202, %parallel_loop3A_291 : i32
        %parallel_loop3A_293 = arith.constant 48 : i32
        %parallel_loop3A_294 = arith.addi %parallel_loop3A_292, %parallel_loop3A_293 : i32
        %parallel_loop3A_295 = arith.index_cast %parallel_loop3A_294 : i32 to index
        %parallel_loop3A_296 = tpu.vector_load %arg14[%parallel_loop3A_295] {strides = array<i32>} : memref<8192xf32, #tpu.memory_space<vmem>>, vector<16xf32>,
        %parallel_loop3A_297 = vector.shape_cast %parallel_loop3A_296 : vector<16xf32> to vector<16xf32>
        %parallel_loop3A_298 = vector.shape_cast %parallel_loop3A_290 : vector<16xf32> to vector<16xf32>
        tpu.vector_store %arg14[%parallel_loop3A_295], %parallel_loop3A_298 {strides = array<i32>} : memref<8192xf32, #tpu.memory_space<vmem>>, vector<16xf32>,
      } {sc.loop_unroll_factor = 4 : i64, sc.parallel_access}
      %lt3A_189 = arith.constant 49 : i32
      %lt3A_190 = arith.cmpi slt, %scan3A_61, %lt3A_189 : i32
      %convert_element_type3A_191 = arith.extui %lt3A_190 : i1 to i32
      %cond3A_192 = arith.constant 0 : i32
      %cond3A_193 = arith.cmpi ne, %convert_element_type3A_191, %cond3A_192 : i32
      scf.if %cond3A_193 {
        %add3A_202 = arith.constant 4 : i32
        %add3A_203 = arith.addi %add3A_168, %add3A_202 : i32
        %dma_start3A_204 = arith.constant 0 : i32
        %dma_start3A_205 = tpu.memref_slice %arg6[%add3A_203, %dma_start3A_204] : memref<200x128xi32, #tpu.memory_space<vmem>> -> memref<1x128xi32, #tpu.memory_space<vmem>>
        %dma_start3A_206 = tpu.memref_squeeze %dma_start3A_205 : memref<1x128xi32, #tpu.memory_space<vmem>> -> memref<128xi32, #tpu.memory_space<vmem>>
        %dma_start3A_207 = arith.constant 0 : i32
        %dma_start3A_208 = arith.constant 0 : i32
        %dma_start3A_209 = tpu.memref_slice %arg3[%dma_start3A_207, %dma_start3A_208] : memref<1000000x64xf32, #tpu.memory_space<hbm>> -> memref<1000000x64xf32, #tpu.memory_space<hbm>>
        tpu.enqueue_indirect_dma source(%dma_start3A_209 : memref<1000000x64xf32, #tpu.memory_space<hbm>>) target(%arg10 : memref<128x64xf32, #tpu.memory_space<vmem>>) offsets(%dma_start3A_206 : memref<128xi32, #tpu.memory_space<vmem>>) semaphore(%arg19 : memref<!tpu.dma_semaphore, #tpu.memory_space<semaphore_mem>>)
      } else {
      }
      %mul3A_194 = arith.constant 128 : i32
      %mul3A_195 = arith.muli %add3A_168, %mul3A_194 : i32
      %add3A_196 = arith.addi %mul3A_4, %mul3A_195 : i32
      %mul3A_197 = arith.constant 64 : i32
      %mul3A_198 = arith.muli %add3A_196, %mul3A_197 : i32
      %dma_start3A_199 = tpu.memref_slice %arg5[%mul3A_198] : memref<52428800xf32, #tpu.memory_space<hbm>> -> memref<8192xf32, #tpu.memory_space<hbm>>
      %dma_start3A_200 = tpu.memref_slice %arg5[%mul3A_198] : memref<52428800xf32, #tpu.memory_space<hbm>> -> memref<8192xf32, #tpu.memory_space<hbm>>
      tpu.enqueue_dma source(%arg14 : memref<8192xf32, #tpu.memory_space<vmem>>) target(%dma_start3A_200 : memref<8192xf32, #tpu.memory_space<hbm>>) target_semaphore(%arg23 : memref<!tpu.dma_semaphore, #tpu.memory_space<semaphore_mem>>)
      %scan3A_201 = arith.constant 0 : i32
      scf.yield %scan3A_201 : i32
    }
    %scan3A_37 = arith.constant 50 : i32
    %add3A_38 = arith.constant 25088 : i32
    %add3A_39 = arith.addi %mul3A_4, %add3A_38 : i32
    %mul3A_40 = arith.constant 64 : i32
    %mul3A_41 = arith.muli %add3A_39, %mul3A_40 : i32
    %dma_wait3A = tpu.memref_slice %arg5[%mul3A_41] : memref<52428800xf32, #tpu.memory_space<hbm>> -> memref<8192xf32, #tpu.memory_space<hbm>>
    %dma_wait3A_42 = tpu.memref_slice %arg5[%mul3A_41] : memref<52428800xf32, #tpu.memory_space<hbm>> -> memref<8192xf32, #tpu.memory_space<hbm>>
    tpu.wait_dma2 semaphore(%arg20 : memref<!tpu.dma_semaphore, #tpu.memory_space<semaphore_mem>>) src(%arg11 : memref<8192xf32, #tpu.memory_space<vmem>>) dst(%dma_wait3A_42 : memref<8192xf32, #tpu.memory_space<hbm>>)
    %add3A_43 = arith.constant 25216 : i32
    %add3A_44 = arith.addi %mul3A_4, %add3A_43 : i32
    %mul3A_45 = arith.constant 64 : i32
    %mul3A_46 = arith.muli %add3A_44, %mul3A_45 : i32
    %dma_wait3A_47 = tpu.memref_slice %arg5[%mul3A_46] : memref<52428800xf32, #tpu.memory_space<hbm>> -> memref<8192xf32, #tpu.memory_space<hbm>>
    %dma_wait3A_48 = tpu.memref_slice %arg5[%mul3A_46] : memref<52428800xf32, #tpu.memory_space<hbm>> -> memref<8192xf32, #tpu.memory_space<hbm>>
    tpu.wait_dma2 semaphore(%arg21 : memref<!tpu.dma_semaphore, #tpu.memory_space<semaphore_mem>>) src(%arg12 : memref<8192xf32, #tpu.memory_space<vmem>>) dst(%dma_wait3A_48 : memref<8192xf32, #tpu.memory_space<hbm>>)
    %add3A_49 = arith.constant 25344 : i32
    %add3A_50 = arith.addi %mul3A_4, %add3A_49 : i32
    %mul3A_51 = arith.constant 64 : i32
    %mul3A_52 = arith.muli %add3A_50, %mul3A_51 : i32
    %dma_wait3A_53 = tpu.memref_slice %arg5[%mul3A_52] : memref<52428800xf32, #tpu.memory_space<hbm>> -> memref<8192xf32, #tpu.memory_space<hbm>>
    %dma_wait3A_54 = tpu.memref_slice %arg5[%mul3A_52] : memref<52428800xf32, #tpu.memory_space<hbm>> -> memref<8192xf32, #tpu.memory_space<hbm>>
    tpu.wait_dma2 semaphore(%arg22 : memref<!tpu.dma_semaphore, #tpu.memory_space<semaphore_mem>>) src(%arg13 : memref<8192xf32, #tpu.memory_space<vmem>>) dst(%dma_wait3A_54 : memref<8192xf32, #tpu.memory_space<hbm>>)
    %add3A_55 = arith.constant 25472 : i32
    %add3A_56 = arith.addi %mul3A_4, %add3A_55 : i32
    %mul3A_57 = arith.constant 64 : i32
    %mul3A_58 = arith.muli %add3A_56, %mul3A_57 : i32
    %dma_wait3A_59 = tpu.memref_slice %arg5[%mul3A_58] : memref<52428800xf32, #tpu.memory_space<hbm>> -> memref<8192xf32, #tpu.memory_space<hbm>>
    %dma_wait3A_60 = tpu.memref_slice %arg5[%mul3A_58] : memref<52428800xf32, #tpu.memory_space<hbm>> -> memref<8192xf32, #tpu.memory_space<hbm>>
    tpu.wait_dma2 semaphore(%arg23 : memref<!tpu.dma_semaphore, #tpu.memory_space<semaphore_mem>>) src(%arg14 : memref<8192xf32, #tpu.memory_space<vmem>>) dst(%dma_wait3A_60 : memref<8192xf32, #tpu.memory_space<hbm>>)
    return
  }
}

</mosaic_0001>

<sc_bundles>
// kernel: kernel.3.cloned.1.call-start
scs
__scs_entry_jumppad:
0x0: {  	(pc) =	sbr.rel $0x88, $3  }
0x1: {  	(tag) =	ssettag $0x0;
	lr =	simm.s32 $0x1  }
0x2: {  	[smem:$0x3F9F] =	sst lr;
	_ =	strace $0xD0000000  }
0x3: {  	_ = 	snop  }
0x4: {  	_ = 	snop  }
0x5: {  	_ = 	snop  }
0x6: {  	_ = 	snop  }
0x7: {  	_ = 	snop  }
__scs_overlays_trampoline_lowered:
0x8: {  	[smem:$0x3FAE] =	sst s0  }
0x9: {  	[smem:$0x3FAF] =	sst s1  }
0xa: {  	[smem:$0x3FB0] =	sst s2  }
0xb: {  	[smem:$0x3FB1] =	sst s3  }
0xc: {  	[smem:$0x3FB2] =	sst s4  }
0xd: {  	[smem:$0x3FB3] =	sst s5  }
0xe: {  	[smem:$0x3FB4] =	sst s6  }
0xf: {  	[smem:$0x3FB5] =	sst s7  }
0x10: {  	[smem:$0x3FB6] =	sst s8  }
0x11: {  	[smem:$0x3FB7] =	sst s9;
	s0 =	simm.s32 @!p0 $0x0  }
0x12: {  	s1 =	sld [smem:$0x3F9D];
	s0 =	simm.s32 @p0 $0x1  }
0x13: {  	[smem:$0x3FB8] =	sst s0;
	s0 =	simm.s32 @!p1 $0x0  }
0x14: {  	s2 =	sld [smem:$0x3F9C];
	s0 =	simm.s32 @p1 $0x1  }
0x15: {  	[smem:$0x3FB9] =	sst s0;
	s0 =	simm.s32 @!p2 $0x0  }
0x16: {  	s3 =	sld [smem:$0x3FDB];
	s0 =	simm.s32 @p2 $0x1  }
0x17: {  	s4 =	simm.s32 $0x1BF5;
	[smem:$0x3FBB] =	sst s0  }
0x18: {  	s0 =	sld [smem:$0x3F9E];
	_ =	swait.ge [sflag:s4], $0x0  }
0x19: {  	s7 =	sld [smem:$0x3F9F]  }
0x1a: {  	s8 =	sadd.s32 $0xFFFFE003, lr  }
0x1b: {  	s9 =	sadd.s32 $0xFFFFFEF7, lr;
	s5 =	simm.s32 $0xFFFFFFFF;
	p2 =	slt.u32 s8, $0xFFFFF086  }
0x1c: {  	p1 =	slt.u32 s9, $0xF7A;
	s5 =	simm.s32 @!p2 $0x0  }
0x1d: {  	s5 =	simm.s32 @p1 $0x1;
	p0 =	seq.s32 s7, s2  }
0x1e: {  	s7 =	smul.u32 @!p0 $0xF7A, s2;
	p2 =	seq.s32 @!p0 s5, $0x0  }
0x1f: {  	s9 =	smul.u32 $0xF7A, s1;
	s8 =	simm.s32 @!p0 $0x1BF5;
	p2 =	por !p2, p0  }
0x20: {  	[sflag:s8] =	ssyncset.s32 @!p0 $0xFFFFF086;
	s6 =	sadd.s32 @!p0 s3, s7;
	s7 =	simm.s32 @!p0 $0x108  }
0x21: {  	s3 =	sadd.s32 s3, s9;
	s6 =	sadd.s32 @!p0 $0x88, s6;
	s7 =	simm.s32 @p2 $0x1082  }
0x22: {  	[simem:s7], [sflag:s8] =	dma.local @!p0 [hbm:s6], $0xF7A  }
0x23: {  	s9 =	sor.u32 $0xD0000000, s2;
	s6 =	simm.s32 $0x108;
	_ =	swait.ge @!p0 [sflag:s8], $0x0  }
0x24: {  	s3 =	sadd.s32 $0x88, s3;
	s6 =	simm.s32 @!p1 $0x1082;
	[sflag:s4] =	ssyncset.s32 $0xFFFFF086  }
0x25: {  	[simem:s6], [sflag:s4] =	dma.local [hbm:s3], $0xF7A  }
0x26: {  	[smem:$0x3F9F] =	sst s1;
	(tag) =	ssettag s2;
	_ =	strace s9  }
0x27: {  	s1 =	sld [smem:$0x3FAF]  }
0x28: {  	s2 =	sld [smem:$0x3FB0]  }
0x29: {  	s4 =	sld [smem:$0x3FB2]  }
0x2a: {  	p0 =	seq.s32 s5, $0x0;
	s5 =	sld [smem:$0x3FB3]  }
0x2b: {  	s6 =	sld [smem:$0x3FB4]  }
0x2c: {  	s7 =	sld [smem:$0x3FB5]  }
0x2d: {  	s3 =	simm.s32 $0x108;
	s8 =	sld [smem:$0x3FB6]  }
0x2e: {  	s3 =	simm.s32 @!p0 $0x1082;
	s9 =	sld [smem:$0x3FB7]  }
0x2f: {  	lr =	sadd.s32 s0, s3;
	s0 =	sld [smem:$0x3FAE]  }
0x30: {  	s3 =	sld [smem:$0x3FB1]  }
0x31: {  	[smem:$0x3FBA] =	sst s10  }
0x32: {  	s10 =	sld [smem:$0x3FB8];
	_ =	sdelay $0x3  }
0x33: {  	p0 =	seq.s32 s10, $0x1;
	s10 =	sld [smem:$0x3FBA];
	_ =	sdelay $0x3  }
0x34: {  	[smem:$0x3FBA] =	sst s10  }
0x35: {  	s10 =	sld [smem:$0x3FB9];
	_ =	sdelay $0x3  }
0x36: {  	p1 =	seq.s32 s10, $0x1;
	s10 =	sld [smem:$0x3FBA];
	_ =	sdelay $0x3  }
0x37: {  	[smem:$0x3FBA] =	sst s10  }
0x38: {  	s10 =	sld [smem:$0x3FBB]  }
0x39: {  	_ = 	snop;
	(pc) =	sbr.ind lr, $3  }
0x3a: {  	_ = 	snop  }
0x3b: {  	_ = 	snop  }
0x3c: {  	p2 =	seq.s32 s10, $0x1;
	s10 =	sld [smem:$0x3FBA]  }
0x3d: {  	_ =	shalt  }
0x3e: {  	_ =	shalt  }
0x3f: {  	_ =	shalt  }
0x40: {  	_ =	shalt  }
0x41: {  	_ =	shalt  }
0x42: {  	_ =	shalt  }
0x43: {  	_ =	shalt  }
0x44: {  	_ =	shalt  }
0x45: {  	_ =	shalt  }
0x46: {  	_ =	shalt  }
0x47: {  	_ =	shalt  }
0x48: {  	_ =	shalt  }
0x49: {  	_ =	shalt  }
0x4a: {  	_ =	shalt  }
0x4b: {  	_ =	shalt  }
0x4c: {  	_ =	shalt  }
0x4d: {  	_ =	shalt  }
0x4e: {  	_ =	shalt  }
0x4f: {  	_ =	shalt  }
0x50: {  	_ =	shalt  }
0x51: {  	_ =	shalt  }
0x52: {  	_ =	shalt  }
0x53: {  	_ =	shalt  }
0x54: {  	_ =	shalt  }
0x55: {  	_ =	shalt  }
0x56: {  	_ =	shalt  }
0x57: {  	_ =	shalt  }
0x58: {  	_ =	shalt  }
0x59: {  	_ =	shalt  }
0x5a: {  	_ =	shalt  }
0x5b: {  	_ =	shalt  }
0x5c: {  	_ =	shalt  }
0x5d: {  	_ =	shalt  }
0x5e: {  	_ =	shalt  }
0x5f: {  	_ =	shalt  }
0x60: {  	_ =	shalt  }
0x61: {  	_ =	shalt  }
0x62: {  	_ =	shalt  }
0x63: {  	_ =	shalt  }
0x64: {  	_ =	shalt  }
0x65: {  	_ =	shalt  }
0x66: {  	_ =	shalt  }
0x67: {  	_ =	shalt  }
0x68: {  	_ =	shalt  }
0x69: {  	_ =	shalt  }
0x6a: {  	_ =	shalt  }
0x6b: {  	_ =	shalt  }
0x6c: {  	_ =	shalt  }
0x6d: {  	_ =	shalt  }
0x6e: {  	_ =	shalt  }
0x6f: {  	_ =	shalt  }
0x70: {  	_ =	shalt  }
0x71: {  	_ =	shalt  }
0x72: {  	_ =	shalt  }
0x73: {  	_ =	shalt  }
0x74: {  	_ =	shalt  }
0x75: {  	_ =	shalt  }
0x76: {  	_ =	shalt  }
0x77: {  	_ =	shalt  }
0x78: {  	_ =	shalt  }
0x79: {  	_ =	shalt  }
0x7a: {  	_ =	shalt  }
0x7b: {  	_ =	shalt  }
0x7c: {  	_ =	shalt  }
0x7d: {  	_ =	shalt  }
0x7e: {  	_ =	shalt  }
0x7f: {  	_ =	shalt  }
0x80: {  	_ =	shalt  }
0x81: {  	_ =	shalt  }
0x82: {  	_ =	shalt  }
0x83: {  	_ =	shalt  }
0x84: {  	_ =	shalt  }
0x85: {  	_ =	shalt  }
0x86: {  	_ =	shalt  }
0x87: {  	_ =	shalt  }
.Lfunc_end0:
.L_simem_size_0:
called_computation.1_lowered:
.L_overlay_start_0:
0x88: {  	s2 =	sld [smem:$0x3FD9]  }
0x89: {  	s3 =	sld [smem:$0x3FFE];
	_ =	sdelay $0x1  }
0x8a: {  	s1 =	srdreg.scid  }
0x8b: {  	s0 =	sand.u32 $0x1, s1  }
0x8c: {  	s17 =	sshll.u32 s0, $0xA;
	s2 =	sadd.s32 s3, s2  }
0x8d: {  	s2 =	sadd.s32 s2, s17  }
0x8e: {  	[smem:$0x3FC6] =	sst s2  }
0x8f: {  	_ = 	snop  }
0x90: {  	s2 =	sld [smem:$0x3FD0];
	(tm) =	ssettm $0x1  }
0x91: {  	s18 =	sld [smem:$0x3FFB];
	_ =	sdelay $0x3  }
0x92: {  	_ =	strace s18  }
0x93: {  	s3 =	sld [smem:$0x3FFC];
	_ =	sdelay $0x3  }
0x94: {  	_ =	strace s3  }
0x95: {  	s3 =	sld [smem:$0x3FFD];
	_ =	sdelay $0x3  }
0x96: {  	_ =	strace s3  }
0x97: {  	_ =	strace $0x8FFFFFFF  }
0x98: {  	s19 =	sld [smem:$0x3FDB];
	_ =	sdelay $0x1  }
0x99: {  	s4 =	simm.s32 $_scs_section_size  }
0x9a: {  	s5 =	simm.s32 $_size__tile_overlayer_lowered;
	s6 =	simm.s32 $_tile_overlayer_lowered  }
0x9b: {  	s22 =	simm.s32 $0x1BFF;
	s21 =	sshll.u32 s6, $0x1;
	s3 =	sadd.s32 s4, s19  }
0x9c: {  	s7 =	simm.s32 $0x0;
	s20 =	sshll.u32 s5, $0x1;
	s5 =	sadd.s32 s21, s3  }
0x9d: {  	[timem:s7], [sflag:s22] =	dma.local [hbm:s5], s20  }
0x9e: {  	_ =	swait.ge [sflag:s22], s20  }
0x9f: {  	s4 =	ssub.s32 $0x0, s20;
	[sflag:s22] =	ssyncset.done $0x0  }
0xa0: {  	[sflag:s22] =	ssyncadd.s32 s4;
	_ =	sdelay $0x1  }
0xa1: {  	s23 =	simm.s32 $0x1B8B  }
0xa2: {  	_ =	swait.ge [sflag:s23], $0x1  }
0xa3: {  	[sflag:s23] =	ssyncset.done $0x0  }
0xa4: {  	s25 =	simm.s32 $0x1B8E;
	s24 =	sld [smem:$0x3FFE];
	[sflag:s23] =	ssyncadd.s32 $0xFFFFFFFF  }
0xa5: {  	s26 =	simm.s32 $execute0_lowered;
	[smem:$0x3FD2] =	sst s25  }
0xa6: {  	s5 =	sshll.u32 s26, $0x1;
	_ =	strace $0x80000046;
	[dreg:$0x1] =	wrdreg $0xFFFFFFFF  }
0xa7: {  	s28 =	simm.s32 $_size_execute0_lowered;
	s3 =	sadd.s32 s3, s5;
	[dreg:$0x0] =	wrdreg $0x0  }
0xa8: {  	s5 =	sshll.u32 s28, $0x1;
	[dreg:$0x2] =	wrdreg s3  }
0xa9: {  	[dreg:$0x3] =	wrdreg s5  }
0xaa: {  	[dreg:$0x4] =	wrdreg $0xC0  }
0xab: {  	_ =	task [dreg:s7], $0x5FFFF  }
0xac: {  	[dreg:$0x1] =	wrdreg $0xFFFFFFFF  }
0xad: {  	[dreg:$0x0] =	wrdreg $0x60  }
0xae: {  	[dreg:$0x2] =	wrdreg s24  }
0xaf: {  	[dreg:$0x3] =	wrdreg s2  }
0xb0: {  	[dreg:$0x4] =	wrdreg $0x9  }
0xb1: {  	_ =	task.clear_ibuf [dreg:s7], $0x5FFFF;
	_ =	strace $0x90000046  }
0xb2: {  	s29 =	simm.s32 $0x9;
	_ =	strace $0x80000048  }
0xb3: {  	_ =	swait.ge [sflag:s29], $0x1  }
0xb4: {  	[sflag:s29] =	ssyncadd.s32 $0xFFFFFFFF  }
0xb5: {  	_ =	strace $0x90000048  }
0xb6: {  	_ =	sfence  }
0xb7: {  	s30 =	sld [smem:$0x0];
	_ =	sdelay $0x2  }
0xb8: {  	s31 =	sshll.u32 s1, $0xD;
	s1 =	sshrl.u32 s1, $0x2  }
0xb9: {  	s3 =	sand.u32 $0x4000, s31;
	s1 =	sadd.s32 s1, s30  }
0xba: {  	s0 =	sor.u32 s3, s0;
	s1 =	sshll.u32 s1, $0x11  }
0xbb: {  	s0 =	sor.u32 s1, s0  }
0xbc: {  	s0 =	sadd.s32 $0x8F2B, s0  }
0xbd: {  	[sflag:s0] =	ssyncadd.remote.s32 $0x1  }
0xbe: {  	_ =	sfence.sel $0xFFFF  }
0xbf: {  	[dreg:$0x0] =	wrdreg $0xFFFFFFFF;
	(pc) =	sbr.abs _section_cstart, $3  }
0xc0: {  	[dreg:$0x1] =	wrdreg $0xFFFFFFFF  }
0xc1: {  	_ =	task.clear_ibuf [dreg:s7], $0x2FFFF;
	_ =	strace $0x9FFFFFFF  }
0xc2: {  	(tm) =	ssettm $0x7FFFFFFF  }
0xc3: {  	_ =	shalt  }
tec
execute0_lowered:
.L_overlay_start_1:
0x0: {  	(tag) =	ssettag $0x1  }
0x1: {  	s0 =	srdreg.scid;
	s2 =	stileid.u32  }
0x2: {  	s1 =	rddreg [dreg:$0x0];
	s14 =	simm.s32 $0x1;
	s15 =	simm.s32 $0xE400  }
0x3: {  	s16 =	simm.s32 $0x2;
	s17 =	simm.s32 $0x10400;
	s18 =	simm.s32 $0x3  }
0x4: {  	s19 =	simm.s32 $0x12400;
	s0 =	sand.u32 $0x1, s0;
	s3 =	sshll.u32 s2, $0x1  }
0x5: {  	s2 =	rddreg [dreg:$0x1];
	s5 =	sor.u32 s0, s3;
	s0 =	ssub.s32 $0x2, s0  }
0x6: {  	s3 =	simm.s32 $0x0;
	s4 =	smul.u32 $0xC80, s5;
	s7 =	sshrl.u32 s0, $0x1  }
0x7: {  	s20 =	simm.s32 $0x4;
	[smem:$0x7FF] =	sst s3;
	s0 =	ssub.s32 s0, s7  }
0x8: {  	s6 =	sadd.s32 s4, s1;
	s4 =	sadd.s32 $0xF43000, s1;
	s1 =	sadd.s32 $0x19C00, s1  }
0x9: {  	_ =	strace $0x80000047;
	s0 =	smax.u32 s0, $0x1;
	[dreg:$0x3] =	wrdreg s1  }
0xa: {  	s21 =	simm.s32 $0x14400;
	s31 =	sadd.s32 $0xC00, s6;
	[dreg:$0x5] =	wrdreg s0  }
0xb: {  	s26 =	simm.s32 $0x0;
	s7 =	smul.u32 $0x6400, s5;
	[dreg:$0x4] =	wrdreg s31  }
.LBB2_1:
0xc: {  	s28 =	simm.s32 $0x16400;
	s0 =	rddreg [dreg:$0x3];
	s1 =	simm.s32 $0x9  }
0xd: {  	[tilespmem:s28], [sflag:$0x9] =	stream.linear.gather [hbm4b:s0+s3], $0x6400, $0x38;
	[tilespmem:$0x1C800] =	vst v63  }
0xe: {  	_ =	swait.ge [sflag:s1], $0x6400  }
0xf: {  	[sflag:s1] =	ssyncset.done $0x0  }
0x10: {  	s13 =	rddreg [dreg:$0x4];
	[sflag:s1] =	ssyncadd.s32 $0xFFFF9C00  }
0x11: {  	[tilespmem:s3], [sflag:$0x9] =	stream.linear.gather [hbm4b:s13+s3], $0x6400, $0x38;
	[tilespmem:$0x1C800] =	vst v63  }
0x12: {  	_ =	swait.ge [sflag:s1], $0x6400  }
0x13: {  	[sflag:s1] =	ssyncset.done $0x0  }
0x14: {  	s29 =	simm.s32 $0x80;
	s22 =	simm.s32 $0x6400;
	[sflag:s1] =	ssyncadd.s32 $0xFFFF9C00  }
0x15: {  	[tilespmem:s22], [sflag:$0x1] =	stream.indirect.gather [hbm4b:s4+s29], $0x40, s3, s29, $0xb8;
	[tilespmem:$0x1C800] =	vst v63  }
0x16: {  	s23 =	simm.s32 $0x8400;
	s30 =	simm.s32 $0x100  }
0x17: {  	[tilespmem:s23], [sflag:$0x2] =	stream.indirect.gather [hbm4b:s4+s29], $0x40, s29, s29, $0xb8;
	[tilespmem:$0x1C800] =	vst v63  }
0x18: {  	s24 =	simm.s32 $0xA400;
	s31 =	simm.s32 $0x180;
	s25 =	simm.s32 $0xC400  }
0x19: {  	[tilespmem:s24], [sflag:$0x3] =	stream.indirect.gather [hbm4b:s4+s29], $0x40, s30, s29, $0xb8;
	[tilespmem:$0x1C800] =	vst v63  }
0x1a: {  	s10 =	simm.s32 $0x0;
	s0 =	simm.s32 $0x0;
	s1 =	simm.s32 $0x0  }
0x1b: {  	[tilespmem:s25], [sflag:$0x4] =	stream.indirect.gather [hbm4b:s4+s29], $0x40, s31, s29, $0xb8;
	[tilespmem:$0x1C800] =	vst v63  }
.LBB2_2:
0x1c: {  	s5 =	sand.u32 $0xFFF8, s1  }
0x1d: {  	s5 =	sshrl.u32 s5, $0x3  }
0x1e: {  	_ =	swait.ge [sflag:s14], $0x2000;
	s5 =	smul.u32 $0x147B, s5  }
0x1f: {  	p0 =	seq.s32 s10, $0x0;
	[sflag:s14] =	ssyncset.done $0x0  }
0x20: {  	s6 =	simm.s32 @!p0 $0x5;
	[sflag:s14] =	ssyncadd.s32 $0xFFFFE000;
	s5 =	sshrl.u32 s5, $0x11  }
0x21: {  	_ =	swait.ge @!p0 [sflag:s6], $0x2000;
	s5 =	smul.u32 $0x3200, s5  }
0x22: {  	[sflag:s6] =	ssyncset.done @!p0 $0x0  }
0x23: {  	s9 =	simm.s32 $0x6480;
	[sflag:s6] =	ssyncadd.s32 @!p0 $0xFFFFE000;
	s5 =	ssub.s32 s0, s5  }
0x24: {  	v0 =	vld [tilespmem:s9+$0x40];
	s5 =	sand.u32 $0xFFFF, s5  }
0x25: {  	v2 =	vld [tilespmem:s9+$0xFFFFFFC0];
	s5 =	sadd.s32 $0x16480, s5  }
0x26: {  	v1 =	vld [tilespmem:s5+$0x40]  }
0x27: {  	v3 =	vld [tilespmem:s9+$0xFFFFFF80]  }
0x28: {  	v4 =	vld [tilespmem:s9+$0x0]  }
0x29: {  	s6 =	simm.s32 $0x6580;
	v5 =	vld [tilespmem:s5+$0xFFFFFF80];
	v0 =	vmul.f32 $8.000000000e+00, v0  }
0x2a: {  	v8 =	vld [tilespmem:s6+$0xFFFFFFC0]  }
0x2b: {  	v6 =	vld [tilespmem:s5+$0xFFFFFFC0];
	v0 =	vadd.f32 v1, v0  }
0x2c: {  	s12 =	simm.s32 $0xE480;
	v3 =	vmul.f32 $8.000000000e+00, v3;
	v1 =	vld [tilespmem:s5+$0x0]  }
0x2d: {  	v10 =	vld [tilespmem:s6+$0x0];
	[tilespmem:s12+$0x40] =	vst v0  }
0x2e: {  	v3 =	vadd.f32 v5, v3;
	v0 =	vmul.f32 $8.000000000e+00, v2;
	v2 =	vld [tilespmem:s9+$0x50]  }
0x2f: {  	v11 =	vld [tilespmem:s6+$0xFFFFFF80];
	v4 =	vmul.f32 $8.000000000e+00, v4  }
0x30: {  	[tilespmem:s12+$0xFFFFFF80] =	vst v3;
	v5 =	vld [tilespmem:s5+$0x50];
	v0 =	vadd.f32 v6, v0  }
0x31: {  	v3 =	vld [tilespmem:s9+$0xFFFFFF90];
	v1 =	vadd.f32 v1, v4  }
0x32: {  	v4 =	vld [tilespmem:s5+$0xFFFFFF90];
	[tilespmem:s12+$0xFFFFFFC0] =	vst v0  }
0x33: {  	v0 =	vld [tilespmem:s9+$0xFFFFFFD0];
	[tilespmem:s12+$0x0] =	vst v1;
	v1 =	vmul.f32 $8.000000000e+00, v2  }
0x34: {  	v2 =	vld [tilespmem:s9+$0x10]  }
0x35: {  	v6 =	vld [tilespmem:s5+$0x10];
	v1 =	vadd.f32 v5, v1  }
0x36: {  	s22 =	sadd.s32 $0x100, s5;
	v5 =	vld [tilespmem:s5+$0xFFFFFFD0]  }
0x37: {  	v9 =	vld [tilespmem:s22+$0x40];
	[tilespmem:s12+$0x50] =	vst v1;
	v1 =	vmul.f32 $8.000000000e+00, v3  }
0x38: {  	v3 =	vld [tilespmem:s9+$0x60]  }
0x39: {  	v12 =	vld [tilespmem:s22+$0xFFFFFF80];
	v0 =	vmul.f32 $8.000000000e+00, v0;
	v2 =	vmul.f32 $8.000000000e+00, v2;
	v1 =	vadd.f32 v4, v1  }
0x3a: {  	v4 =	vld [tilespmem:s5+$0x60]  }
0x3b: {  	v0 =	vadd.f32 v5, v0;
	[tilespmem:s12+$0xFFFFFF90] =	vst v1;
	v1 =	vadd.f32 v6, v2;
	v6 =	vld [tilespmem:s6+$0x40]  }
0x3c: {  	v58 =	vld [tilespmem:s22+$0x0]  }
0x3d: {  	v2 =	vld [tilespmem:s9+$0xFFFFFFA0];
	[tilespmem:s12+$0xFFFFFFD0] =	vst v0;
	v0 =	vmul.f32 $8.000000000e+00, v3  }
0x3e: {  	v3 =	vld [tilespmem:s9+$0xFFFFFFE0]  }
0x3f: {  	v0 =	vadd.f32 v4, v0;
	v4 =	vld [tilespmem:s5+$0xFFFFFFA0]  }
0x40: {  	v10 =	vmul.f32 $8.000000000e+00, v10;
	[tilespmem:s12+$0x10] =	vst v1;
	v5 =	vld [tilespmem:s5+$0xFFFFFFE0];
	v6 =	vmul.f32 $8.000000000e+00, v6  }
0x41: {  	v1 =	vld [tilespmem:s9+$0x20];
	[tilespmem:s12+$0x60] =	vst v0  }
0x42: {  	v2 =	vmul.f32 $8.000000000e+00, v2;
	v0 =	vld [tilespmem:s9+$0x70];
	v6 =	vadd.f32 v9, v6;
	v9 =	vadd.f32 v58, v10  }
0x43: {  	s8 =	simm.s32 $0xE580;
	v7 =	vld [tilespmem:s5+$0x70];
	v3 =	vmul.f32 $8.000000000e+00, v3  }
0x44: {  	v2 =	vadd.f32 v4, v2;
	v4 =	vld [tilespmem:s22+$0xFFFFFFC0];
	[tilespmem:s8+$0x0] =	vst v9  }
0x45: {  	v3 =	vadd.f32 v5, v3;
	[tilespmem:s8+$0x40] =	vst v6;
	v9 =	vld [tilespmem:s6+$0x10]  }
0x46: {  	v5 =	vmul.f32 $8.000000000e+00, v11;
	[tilespmem:s12+$0xFFFFFFA0] =	vst v2;
	v2 =	vld [tilespmem:s5+$0x20]  }
0x47: {  	[tilespmem:s12+$0xFFFFFFE0] =	vst v3;
	v3 =	vmul.f32 $8.000000000e+00, v8;
	v8 =	vld [tilespmem:s6+$0x50]  }
0x48: {  	v5 =	vadd.f32 v12, v5;
	v6 =	vld [tilespmem:s9+$0xFFFFFFB0]  }
0x49: {  	v3 =	vadd.f32 v4, v3;
	v4 =	vld [tilespmem:s22+$0x50]  }
0x4a: {  	v59 =	vld [tilespmem:s9+$0xFFFFFFF0];
	[tilespmem:s8+$0xFFFFFF80] =	vst v5  }
0x4b: {  	v1 =	vmul.f32 $8.000000000e+00, v1;
	v60 =	vld [tilespmem:s6+$0xFFFFFF90]  }
0x4c: {  	v61 =	vld [tilespmem:s22+$0xFFFFFF90];
	[tilespmem:s8+$0xFFFFFFC0] =	vst v3;
	v8 =	vmul.f32 $8.000000000e+00, v8  }
0x4d: {  	v1 =	vadd.f32 v2, v1;
	v3 =	vld [tilespmem:s6+$0xFFFFFFD0]  }
0x4e: {  	v5 =	vld [tilespmem:s5+$0xFFFFFFB0];
	v4 =	vadd.f32 v4, v8  }
0x4f: {  	v2 =	vld [tilespmem:s22+$0xFFFFFFD0];
	[tilespmem:s12+$0x20] =	vst v1  }
0x50: {  	v8 =	vld [tilespmem:s22+$0x10];
	v1 =	vmul.f32 $8.000000000e+00, v60;
	[tilespmem:s8+$0x50] =	vst v4  }
0x51: {  	v0 =	vmul.f32 $8.000000000e+00, v0;
	v4 =	vld [tilespmem:s6+$0x60]  }
0x52: {  	s11 =	smulhi.u32 $0x51EB851F, s31;
	v62 =	vld [tilespmem:s9+$0x30];
	v1 =	vadd.f32 v61, v1;
	v3 =	vmul.f32 $8.000000000e+00, v3  }
0x53: {  	s23 =	smulhi.u32 $0x51EB851F, s30;
	v0 =	vadd.f32 v7, v0;
	v9 =	vmul.f32 $8.000000000e+00, v9;
	v63 =	vld [tilespmem:s22+$0x60]  }
0x54: {  	s13 =	smulhi.u32 $0x51EB851F, s29;
	s11 =	sshrl.u32 s11, $0x6;
	v13 =	vld [tilespmem:s5+$0xFFFFFFF0];
	[tilespmem:s8+$0xFFFFFF90] =	vst v1;
	v1 =	vmul.f32 $8.000000000e+00, v6;
	v2 =	vadd.f32 v2, v3  }
0x55: {  	s11 =	smul.u32 $0xFFFF3800, s11;
	[tilespmem:s12+$0x70] =	vst v0;
	s9 =	sshrl.u32 s23, $0x6;
	v6 =	vld [tilespmem:s5+$0x30];
	v3 =	vadd.f32 v8, v9  }
0x56: {  	s25 =	sshrl.u32 s13, $0x6;
	s24 =	smul.u32 $0xFFFF3800, s9;
	v5 =	vadd.f32 v5, v1;
	[tilespmem:s8+$0xFFFFFFD0] =	vst v2;
	v2 =	vld [tilespmem:s6+$0xFFFFFFA0];
	v4 =	vmul.f32 $8.000000000e+00, v4  }
0x57: {  	v7 =	vmul.f32 $8.000000000e+00, v59;
	s9 =	smul.u32 $0xFFFF3800, s25;
	[tilespmem:s8+$0x10] =	vst v3;
	v1 =	vld [tilespmem:s6+$0xFFFFFFE0]  }
0x58: {  	s11 =	sshra.s32 s11, $0x2;
	v0 =	vld [tilespmem:s6+$0x20];
	[tilespmem:s12+$0xFFFFFFB0] =	vst v5;
	v5 =	vmul.f32 $8.000000000e+00, v62;
	v8 =	vadd.f32 v63, v4  }
0x59: {  	s13 =	sadd.s32 s11, s28;
	s11 =	sshll.u32 s10, $0x9;
	v7 =	vadd.f32 v13, v7;
	s9 =	sshra.s32 s9, $0x2;
	v3 =	vld [tilespmem:s22+$0xFFFFFFA0]  }
0x5a: {  	s25 =	simm.s32 $0x4;
	s5 =	sshra.s32 s24, $0x2;
	s23 =	sadd.s32 s9, s28;
	v4 =	vld [tilespmem:s22+$0xFFFFFFE0];
	v5 =	vadd.f32 v6, v5;
	[tilespmem:s8+$0x60] =	vst v8  }
0x5b: {  	[tilespmem:s12+$0xFFFFFFF0] =	vst v7;
	s9 =	simm.s32 $0x6680;
	s24 =	smov.u32 s22;
	s5 =	sadd.s32 s5, s28;
	v6 =	vmul.f32 $8.000000000e+00, v2;
	v2 =	vld [tilespmem:s6+$0x70]  }
.LBB2_3:
0x5c: {  	v7 =	vld [tilespmem:s9+$0x40];
	v1 =	vmul.f32 $8.000000000e+00, v1;
	[tilespmem:s12+$0x30] =	vst v5;
	s12 =	smov.u32 s8  }
0x5d: {  	s25 =	sadd.s32 $0x4, s25;
	v0 =	vmul.f32 $8.000000000e+00, v0;
	v5 =	vld [tilespmem:s22+$0x70]  }
0x5e: {  	p1 =	slt.u32 s25, $0x7C;
	s22 =	sadd.s32 $0x100, s22;
	v8 =	vld [tilespmem:s9+$0xFFFFFFC0];
	v3 =	vadd.f32 v3, v6  }
0x5f: {  	v6 =	vld [tilespmem:s22+$0x40];
	v1 =	vadd.f32 v4, v1  }
0x60: {  	v4 =	vld [tilespmem:s9+$0x0];
	[tilespmem:s8+$0xFFFFFFA0] =	vst v3;
	v2 =	vmul.f32 $8.000000000e+00, v2  }
0x61: {  	v3 =	vld [tilespmem:s9+$0xFFFFFF80];
	[tilespmem:s8+$0xFFFFFFE0] =	vst v1  }
0x62: {  	v7 =	vmul.f32 $8.000000000e+00, v7;
	v1 =	vld [tilespmem:s22+$0xFFFFFF80];
	v2 =	vadd.f32 v5, v2  }
0x63: {  	v5 =	vmul.f32 $8.000000000e+00, v8;
	v8 =	vld [tilespmem:s22+$0xFFFFFFC0]  }
0x64: {  	v9 =	vld [tilespmem:s22+$0x0];
	v6 =	vadd.f32 v6, v7;
	[tilespmem:s8+$0x70] =	vst v2  }
0x65: {  	s8 =	sadd.s32 $0x100, s8;
	v2 =	vmul.f32 $8.000000000e+00, v4;
	v4 =	vld [tilespmem:s24+$0x20]  }
0x66: {  	v3 =	vmul.f32 $8.000000000e+00, v3;
	[tilespmem:s8+$0x40] =	vst v6;
	v6 =	vld [tilespmem:s6+$0xFFFFFFB0]  }
0x67: {  	v7 =	vld [tilespmem:s9+$0x50]  }
0x68: {  	v1 =	vadd.f32 v1, v3;
	v3 =	vadd.f32 v8, v5;
	v5 =	vld [tilespmem:s6+$0xFFFFFFF0]  }
0x69: {  	v2 =	vadd.f32 v9, v2;
	v8 =	vld [tilespmem:s22+$0x50]  }
0x6a: {  	[tilespmem:s8+$0xFFFFFF80] =	vst v1;
	v1 =	vld [tilespmem:s24+$0xFFFFFFB0];
	v0 =	vadd.f32 v4, v0  }
0x6b: {  	v4 =	vld [tilespmem:s9+$0xFFFFFF90];
	[tilespmem:s8+$0xFFFFFFC0] =	vst v3;
	v3 =	vmul.f32 $8.000000000e+00, v6  }
0x6c: {  	v6 =	vld [tilespmem:s9+$0xFFFFFFD0];
	[tilespmem:s8+$0x0] =	vst v2;
	v2 =	vmul.f32 $8.000000000e+00, v7  }
0x6d: {  	v7 =	vld [tilespmem:s9+$0x10];
	v5 =	vmul.f32 $8.000000000e+00, v5;
	[tilespmem:s12+$0x20] =	vst v0  }
0x6e: {  	v0 =	vld [tilespmem:s22+$0xFFFFFF90];
	v2 =	vadd.f32 v8, v2  }
0x6f: {  	v8 =	vld [tilespmem:s22+$0xFFFFFFD0];
	v1 =	vadd.f32 v1, v3  }
0x70: {  	v3 =	vmul.f32 $8.000000000e+00, v4;
	v4 =	vld [tilespmem:s22+$0x10];
	[tilespmem:s8+$0x50] =	vst v2  }
0x71: {  	v2 =	vmul.f32 $8.000000000e+00, v6;
	v6 =	vld [tilespmem:s9+$0x60];
	[tilespmem:s12+$0xFFFFFFB0] =	vst v1  }
0x72: {  	v1 =	vmul.f32 $8.000000000e+00, v7;
	v7 =	vld [tilespmem:s6+$0x30];
	s6 =	smov.u32 s9  }
0x73: {  	v0 =	vadd.f32 v0, v3;
	v3 =	vld [tilespmem:s22+$0x60]  }
0x74: {  	v2 =	vadd.f32 v8, v2;
	v8 =	vld [tilespmem:s24+$0xFFFFFFF0]  }
0x75: {  	[tilespmem:s8+$0xFFFFFF90] =	vst v0;
	v0 =	vadd.f32 v4, v1;
	v9 =	vld [tilespmem:s24+$0x30];
	s24 =	smov.u32 s22  }
0x76: {  	v10 =	vld [tilespmem:s9+$0xFFFFFFA0];
	[tilespmem:s8+$0xFFFFFFD0] =	vst v2;
	v2 =	vmul.f32 $8.000000000e+00, v6  }
.Ltmp0:
0x77: {  	v1 =	vld [tilespmem:s9+$0xFFFFFFE0];
	[tilespmem:s8+$0x10] =	vst v0;
	v6 =	vmul.f32 $8.000000000e+00, v7;
	(pc) =	sbr.rel @p1 .LBB2_3-.Ltmp0, $4  }
0x78: {  	v0 =	vld [tilespmem:s9+$0x20];
	v2 =	vadd.f32 v3, v2  }
0x79: {  	v3 =	vld [tilespmem:s22+$0xFFFFFFA0];
	v7 =	vadd.f32 v8, v5  }
0x7a: {  	v4 =	vld [tilespmem:s22+$0xFFFFFFE0];
	[tilespmem:s8+$0x60] =	vst v2;
	v5 =	vadd.f32 v9, v6  }
0x7b: {  	s9 =	sadd.s32 $0x100, s9;
	v6 =	vmul.f32 $8.000000000e+00, v10;
	v2 =	vld [tilespmem:s6+$0x70];
	[tilespmem:s12+$0xFFFFFFF0] =	vst v7  }
0x7c: {  	v7 =	vld [tilespmem:s24+$0x20]  }
0x7d: {  	v1 =	vmul.f32 $8.000000000e+00, v1  }
0x7e: {  	v3 =	vadd.f32 v3, v6  }
0x7f: {  	v0 =	vmul.f32 $8.000000000e+00, v0;
	v1 =	vadd.f32 v4, v1  }
0x80: {  	v4 =	vld [tilespmem:s22+$0x70];
	[tilespmem:s8+$0xFFFFFFA0] =	vst v3  }
0x81: {  	[tilespmem:s8+$0xFFFFFFE0] =	vst v1;
	v1 =	vld [tilespmem:s6+$0xFFFFFFB0];
	v0 =	vadd.f32 v7, v0  }
0x82: {  	v6 =	vld [tilespmem:s24+$0xFFFFFFB0]  }
0x83: {  	v3 =	vld [tilespmem:s6+$0xFFFFFFF0];
	[tilespmem:s8+$0x20] =	vst v0  }
0x84: {  	v0 =	vld [tilespmem:s6+$0x30]  }
0x85: {  	v7 =	vld [tilespmem:s24+$0xFFFFFFF0]  }
0x86: {  	v2 =	vmul.f32 $8.000000000e+00, v2;
	v8 =	vld [tilespmem:s24+$0x30]  }
0x87: {  	v1 =	vmul.f32 $8.000000000e+00, v1  }
0x88: {  	v2 =	vadd.f32 v4, v2;
	v3 =	vmul.f32 $8.000000000e+00, v3  }
0x89: {  	[tilespmem:s12+$0x30] =	vst v5;
	v1 =	vadd.f32 v6, v1;
	v0 =	vmul.f32 $8.000000000e+00, v0  }
0x8a: {  	p1 =	seq.s32 s10, $0x31;
	[tilespmem:s8+$0x70] =	vst v2;
	v2 =	vadd.f32 v7, v3  }
0x8b: {  	s6 =	sshll.u32 @!p1 s10, $0x9;
	[tilespmem:s8+$0xFFFFFFB0] =	vst v1;
	v0 =	vadd.f32 v8, v0  }
0x8c: {  	s25 =	sadd.s32 s7, s11;
	s12 =	sand.u32 @!p1 $0x3FFFFE00, s6;
	[tilespmem:s8+$0xFFFFFFF0] =	vst v2  }
0x8d: {  	s9 =	simm.s32 @!p1 $0x6400;
	s6 =	sadd.s32 @!p1 $0x200, s12;
	[tilespmem:s8+$0x30] =	vst v0;
	s8 =	simm.s32 @!p1 $0x80  }
0x8e: {  	[tilespmem:s9], [sflag:$0x1] =	stream.indirect.gather @!p1 [hbm4b:s4+s8], $0x40, s6, s8, $0xb8;
	[tilespmem:$0x1C800] =	vst v63  }
0x8f: {  	s6 =	sshll.u32 s25, $0x3  }
0x90: {  	s6 =	sadd.s32 s2, s6  }
0x91: {  	[hbm4b:s6+s3] =	stream.linear.scatter [tilespmem:s15], [sflag:$0x5], $0x2000, $0x38;
	[tilespmem:$0x1C800] =	vst v63  }
0x92: {  	_ =	swait.ge [sflag:s16], $0x2000  }
0x93: {  	[sflag:s16] =	ssyncset.done $0x0  }
0x94: {  	v0 =	vmov s23;
	s6 =	simm.s32 @!p0 $0x6;
	[sflag:s16] =	ssyncadd.s32 $0xFFFFE000  }
0x95: {  	_ =	swait.ge @!p0 [sflag:s6], $0x2000  }
0x96: {  	[sflag:s6] =	ssyncset.done @!p0 $0x0  }
0x97: {  	[sflag:s6] =	ssyncadd.s32 @!p0 $0xFFFFE000;
	s6 =	simm.s32 $0x0  }
0x98: {  	v1 =	vld [tilespmem:s6+$0x84C0]  }
0x99: {  	v2 =	vld.idx.msk [tilespmem:v0+s6+$0x20C0 ss:$0x1], $0xffff  }
0x9a: {  	v3 =	vld [tilespmem:s6+$0x8400]  }
0x9b: {  	v4 =	vld [tilespmem:s6+$0x8440]  }
0x9c: {  	v5 =	vld [tilespmem:s6+$0x8480]  }
0x9d: {  	v6 =	vld.idx.msk [tilespmem:v0+s6+$0x2000 ss:$0x1], $0xffff  }
0x9e: {  	v7 =	vld.idx.msk [tilespmem:v0+s6+$0x2080 ss:$0x1], $0xffff  }
0x9f: {  	v8 =	vld [tilespmem:s6+$0x8410]  }
0xa0: {  	v11 =	vld [tilespmem:s6+$0x8430]  }
0xa1: {  	s8 =	simm.s32 $0x100;
	v12 =	vld [tilespmem:s6+$0x84F0]  }
0xa2: {  	v14 =	vld [tilespmem:s8+$0x8400];
	v1 =	vmul.f32 $8.000000000e+00, v1  }
0xa3: {  	v15 =	vld [tilespmem:s8+$0x8440]  }
0xa4: {  	v16 =	vld [tilespmem:s8+$0x8480];
	v1 =	vadd.f32 v2, v1  }
0xa5: {  	v2 =	vld.idx.msk [tilespmem:v0+s6+$0x2040 ss:$0x1], $0xffff  }
0xa6: {  	[tilespmem:s6+$0x104C0] =	vst v1;
	v1 =	vmul.f32 $8.000000000e+00, v3;
	v3 =	vld [tilespmem:s6+$0x84D0]  }
0xa7: {  	v17 =	vld.idx.msk [tilespmem:v0+s8+$0x2040 ss:$0x1], $0xffff  }
0xa8: {  	v4 =	vmul.f32 $8.000000000e+00, v4;
	v9 =	vld.idx.msk [tilespmem:v0+s6+$0x20D0 ss:$0x1], $0xffff  }
0xa9: {  	v18 =	vld.idx.msk [tilespmem:v0+s8+$0x2080 ss:$0x1], $0xffff  }
0xaa: {  	v20 =	vld [tilespmem:s8+$0x8410];
	v2 =	vadd.f32 v2, v4  }
0xab: {  	v1 =	vadd.f32 v6, v1;
	v6 =	vld [tilespmem:s6+$0x8450];
	v3 =	vmul.f32 $8.000000000e+00, v3  }
0xac: {  	v55 =	vld [tilespmem:s8+$0x8450];
	[tilespmem:s6+$0x10440] =	vst v2  }
0xad: {  	v2 =	vld.idx.msk [tilespmem:v0+s6+$0x2050 ss:$0x1], $0xffff;
	v3 =	vadd.f32 v9, v3  }
0xae: {  	v56 =	vld [tilespmem:s8+$0x8490]  }
0xaf: {  	v5 =	vmul.f32 $8.000000000e+00, v5;
	[tilespmem:s6+$0x104D0] =	vst v3;
	v3 =	vmul.f32 $8.000000000e+00, v8;
	v8 =	vld [tilespmem:s6+$0x84E0]  }
0xb0: {  	v59 =	vld [tilespmem:s8+$0x8460];
	v6 =	vmul.f32 $8.000000000e+00, v6  }
0xb1: {  	v5 =	vadd.f32 v7, v5;
	v10 =	vld.idx.msk [tilespmem:v0+s6+$0x20E0 ss:$0x1], $0xffff  }
0xb2: {  	v60 =	vld [tilespmem:s8+$0x84A0];
	v2 =	vadd.f32 v2, v6  }
0xb3: {  	v61 =	vld [tilespmem:s8+$0x8430];
	[tilespmem:s6+$0x10480] =	vst v5  }
0xb4: {  	v62 =	vld [tilespmem:s8+$0x8470];
	[tilespmem:s6+$0x10450] =	vst v2;
	v2 =	vmul.f32 $8.000000000e+00, v8  }
0xb5: {  	v15 =	vmul.f32 $8.000000000e+00, v15;
	v5 =	vld.idx.msk [tilespmem:v0+s6+$0x2090 ss:$0x1], $0xffff  }
0xb6: {  	v8 =	vld [tilespmem:s8+$0x84C0];
	v2 =	vadd.f32 v10, v2  }
0xb7: {  	v15 =	vadd.f32 v17, v15;
	v4 =	vld [tilespmem:s6+$0x8490];
	[tilespmem:s6+$0x10400] =	vst v1  }
0xb8: {  	[tilespmem:s6+$0x104E0] =	vst v2;
	v2 =	vld.idx.msk [tilespmem:v0+s8+$0x20C0 ss:$0x1], $0xffff  }
0xb9: {  	[tilespmem:s8+$0x10440] =	vst v15;
	v7 =	vld.idx.msk [tilespmem:v0+s6+$0x2010 ss:$0x1], $0xffff  }
0xba: {  	v15 =	vld.idx.msk [tilespmem:v0+s8+$0x2050 ss:$0x1], $0xffff  }
0xbb: {  	v1 =	vld [tilespmem:s6+$0x8420];
	v8 =	vmul.f32 $8.000000000e+00, v8  }
0xbc: {  	v9 =	vld [tilespmem:s6+$0x8460]  }
0xbd: {  	v4 =	vmul.f32 $8.000000000e+00, v4;
	v2 =	vadd.f32 v2, v8;
	v8 =	vld.idx.msk [tilespmem:v0+s8+$0x2000 ss:$0x1], $0xffff  }
0xbe: {  	v3 =	vadd.f32 v7, v3;
	v7 =	vld [tilespmem:s6+$0x84A0]  }
0xbf: {  	v4 =	vadd.f32 v5, v4;
	[tilespmem:s8+$0x104C0] =	vst v2;
	v2 =	vld [tilespmem:s8+$0x84D0]  }
0xc0: {  	v14 =	vmul.f32 $8.000000000e+00, v14;
	[tilespmem:s6+$0x10410] =	vst v3;
	v3 =	vld [tilespmem:s6+$0x8470]  }
0xc1: {  	[tilespmem:s6+$0x10490] =	vst v4;
	v19 =	vld.idx.msk [tilespmem:v0+s8+$0x20D0 ss:$0x1], $0xffff  }
0xc2: {  	v4 =	vld.idx.msk [tilespmem:v0+s6+$0x20A0 ss:$0x1], $0xffff;
	v8 =	vadd.f32 v8, v14;
	v14 =	vmul.f32 $8.000000000e+00, v16  }
0xc3: {  	v5 =	vld.idx.msk [tilespmem:v0+s6+$0x2020 ss:$0x1], $0xffff  }
0xc4: {  	v6 =	vld.idx.msk [tilespmem:v0+s6+$0x2060 ss:$0x1], $0xffff;
	[tilespmem:s8+$0x10400] =	vst v8;
	v2 =	vmul.f32 $8.000000000e+00, v2;
	v14 =	vadd.f32 v18, v14  }
0xc5: {  	v57 =	vld.idx.msk [tilespmem:v0+s8+$0x2010 ss:$0x1], $0xffff  }
0xc6: {  	v10 =	vld [tilespmem:s6+$0x84B0];
	v2 =	vadd.f32 v19, v2;
	[tilespmem:s8+$0x10480] =	vst v14  }
0xc7: {  	v14 =	vld.idx.msk [tilespmem:v0+s8+$0x2090 ss:$0x1], $0xffff  }
0xc8: {  	v58 =	vmul.f32 $8.000000000e+00, v20;
	[tilespmem:s8+$0x104D0] =	vst v2;
	v2 =	vld [tilespmem:s8+$0x84E0]  }
0xc9: {  	v13 =	vld.idx.msk [tilespmem:v0+s6+$0x20F0 ss:$0x1], $0xffff;
	v16 =	vmul.f32 $8.000000000e+00, v55  }
0xca: {  	v17 =	vmul.f32 $8.000000000e+00, v56;
	v1 =	vmul.f32 $8.000000000e+00, v1;
	v21 =	vld.idx.msk [tilespmem:v0+s8+$0x20E0 ss:$0x1], $0xffff;
	v18 =	vadd.f32 v57, v58  }
0xcb: {  	v8 =	vld [tilespmem:s8+$0x8420];
	v15 =	vadd.f32 v15, v16  }
0xcc: {  	v9 =	vmul.f32 $8.000000000e+00, v9;
	v1 =	vadd.f32 v5, v1;
	v5 =	vld [tilespmem:s8+$0x84B0];
	[tilespmem:s8+$0x10410] =	vst v18;
	v14 =	vadd.f32 v14, v17  }
0xcd: {  	[tilespmem:s8+$0x10450] =	vst v15;
	v2 =	vmul.f32 $8.000000000e+00, v2;
	v15 =	vld.idx.msk [tilespmem:v0+s8+$0x2020 ss:$0x1], $0xffff  }
0xce: {  	v12 =	vmul.f32 $8.000000000e+00, v12;
	v6 =	vadd.f32 v6, v9;
	v63 =	vld.idx.msk [tilespmem:v0+s8+$0x2060 ss:$0x1], $0xffff;
	[tilespmem:s8+$0x10490] =	vst v14  }
0xcf: {  	[tilespmem:s6+$0x10420] =	vst v1;
	v1 =	vmul.f32 $8.000000000e+00, v11;
	v14 =	vmul.f32 $8.000000000e+00, v7;
	v2 =	vadd.f32 v21, v2;
	v7 =	vld.idx.msk [tilespmem:v0+s8+$0x20A0 ss:$0x1], $0xffff  }
0xd0: {  	v9 =	vld [tilespmem:s8+$0x84F0];
	[tilespmem:s6+$0x10460] =	vst v6;
	v6 =	vadd.f32 v13, v12;
	v13 =	vmul.f32 $8.000000000e+00, v59;
	v11 =	vmul.f32 $8.000000000e+00, v8  }
0xd1: {  	v4 =	vadd.f32 v4, v14;
	[tilespmem:s8+$0x104E0] =	vst v2;
	v2 =	vmul.f32 $8.000000000e+00, v3;
	v3 =	vmul.f32 $8.000000000e+00, v10;
	v10 =	vld.idx.msk [tilespmem:v0+s6+$0x2030 ss:$0x1], $0xffff  }
0xd2: {  	v12 =	vmul.f32 $8.000000000e+00, v60;
	[tilespmem:s6+$0x104F0] =	vst v6;
	v8 =	vld.idx.msk [tilespmem:v0+s8+$0x20F0 ss:$0x1], $0xffff;
	v14 =	vadd.f32 v15, v11  }
0xd3: {  	s22 =	sor.u32 $0x80, s11;
	s23 =	simm.s32 $0x4;
	s9 =	simm.s32 $0x800;
	v6 =	vmul.f32 $8.000000000e+00, v61;
	v13 =	vadd.f32 v63, v13;
	[tilespmem:s6+$0x104A0] =	vst v4;
	v4 =	vmul.f32 $8.000000000e+00, v62;
	v11 =	vld.idx.msk [tilespmem:v0+s6+$0x2070 ss:$0x1], $0xffff  }
.LBB2_5:
0xd4: {  	s24 =	sshra.s32 s9, $0x2;
	s23 =	sadd.s32 $0x4, s23;
	[tilespmem:s8+$0x10420] =	vst v14;
	v7 =	vadd.f32 v7, v12;
	v5 =	vmul.f32 $8.000000000e+00, v5;
	v12 =	vld.idx.msk [tilespmem:v0+s6+$0x20B0 ss:$0x1], $0xffff  }
0xd5: {  	v14 =	vld [tilespmem:s24+$0x84C0];
	p2 =	slt.u32 s23, $0x7C;
	[tilespmem:s8+$0x10460] =	vst v13;
	v9 =	vmul.f32 $8.000000000e+00, v9  }
0xd6: {  	v13 =	vld.idx.msk [tilespmem:v0+s24+$0x20C0 ss:$0x1], $0xffff;
	[tilespmem:s8+$0x104A0] =	vst v7  }
0xd7: {  	v7 =	vld [tilespmem:s24+$0x8400];
	v8 =	vadd.f32 v8, v9  }
0xd8: {  	v10 =	vadd.f32 v10, v1;
	v1 =	vmov v6;
	v9 =	vld [tilespmem:s24+$0x8440]  }
0xd9: {  	v6 =	vld [tilespmem:s24+$0x8480];
	[tilespmem:s8+$0x104F0] =	vst v8;
	v8 =	vadd.f32 v11, v2;
	v2 =	vmov v4  }
0xda: {  	v4 =	vld.idx.msk [tilespmem:v0+s24+$0x2000 ss:$0x1], $0xffff;
	v11 =	vmul.f32 $8.000000000e+00, v14;
	[tilespmem:s6+$0x10430] =	vst v10;
	v10 =	vadd.f32 v12, v3;
	v3 =	vmov v5  }
0xdb: {  	v5 =	vld.idx.msk [tilespmem:v0+s24+$0x2040 ss:$0x1], $0xffff;
	[tilespmem:s6+$0x10470] =	vst v8  }
0xdc: {  	v7 =	vmul.f32 $8.000000000e+00, v7;
	v8 =	vld.idx.msk [tilespmem:v0+s24+$0x2080 ss:$0x1], $0xffff;
	v11 =	vadd.f32 v13, v11;
	[tilespmem:s6+$0x104B0] =	vst v10;
	s6 =	smov.u32 s8;
	s8 =	smov.u32 s24  }
0xdd: {  	v10 =	vld [tilespmem:s8+$0x8410];
	v9 =	vmul.f32 $8.000000000e+00, v9  }
0xde: {  	v6 =	vmul.f32 $8.000000000e+00, v6;
	[tilespmem:s8+$0x104C0] =	vst v11;
	v11 =	vld [tilespmem:s8+$0x84D0]  }
0xdf: {  	v12 =	vld.idx.msk [tilespmem:v0+s8+$0x20D0 ss:$0x1], $0xffff  }
0xe0: {  	v4 =	vadd.f32 v4, v7;
	v7 =	vld [tilespmem:s8+$0x8450]  }
0xe1: {  	v5 =	vadd.f32 v5, v9;
	v9 =	vld [tilespmem:s8+$0x8490]  }
0xe2: {  	v6 =	vadd.f32 v8, v6;
	[tilespmem:s8+$0x10400] =	vst v4;
	v4 =	vmul.f32 $8.000000000e+00, v10;
	v10 =	vld [tilespmem:s8+$0x8420]  }
0xe3: {  	v8 =	vld.idx.msk [tilespmem:v0+s8+$0x2010 ss:$0x1], $0xffff;
	[tilespmem:s8+$0x10440] =	vst v5;
	v5 =	vmul.f32 $8.000000000e+00, v11  }
0xe4: {  	v11 =	vld.idx.msk [tilespmem:v0+s8+$0x2050 ss:$0x1], $0xffff;
	[tilespmem:s8+$0x10480] =	vst v6  }
0xe5: {  	v6 =	vmul.f32 $8.000000000e+00, v7;
	v7 =	vld.idx.msk [tilespmem:v0+s8+$0x2090 ss:$0x1], $0xffff;
	v5 =	vadd.f32 v12, v5  }
0xe6: {  	v12 =	vld [tilespmem:s8+$0x8460];
	v9 =	vmul.f32 $8.000000000e+00, v9  }
0xe7: {  	v10 =	vmul.f32 $8.000000000e+00, v10;
	[tilespmem:s8+$0x104D0] =	vst v5;
	v5 =	vld [tilespmem:s8+$0x84E0]  }
0xe8: {  	v13 =	vld.idx.msk [tilespmem:v0+s8+$0x20E0 ss:$0x1], $0xffff  }
0xe9: {  	v4 =	vadd.f32 v8, v4;
	v8 =	vld [tilespmem:s8+$0x84A0]  }
0xea: {  	v6 =	vadd.f32 v11, v6;
	v14 =	vld [tilespmem:s8+$0x8430]  }
0xeb: {  	v7 =	vadd.f32 v7, v9;
	[tilespmem:s8+$0x10410] =	vst v4;
	v11 =	vmul.f32 $8.000000000e+00, v12;
	v4 =	vld [tilespmem:s8+$0x8470]  }
0xec: {  	v15 =	vld.idx.msk [tilespmem:v0+s8+$0x2020 ss:$0x1], $0xffff;
	[tilespmem:s8+$0x10450] =	vst v6;
	v5 =	vmul.f32 $8.000000000e+00, v5  }
0xed: {  	v16 =	vld.idx.msk [tilespmem:v0+s8+$0x2060 ss:$0x1], $0xffff;
	[tilespmem:s8+$0x10490] =	vst v7  }
0xee: {  	v12 =	vmul.f32 $8.000000000e+00, v8;
	v7 =	vld.idx.msk [tilespmem:v0+s8+$0x20A0 ss:$0x1], $0xffff;
	v8 =	vadd.f32 v13, v5  }
.Ltmp1:
0xef: {  	v6 =	vmul.f32 $8.000000000e+00, v14;
	v5 =	vld [tilespmem:s8+$0x84B0];
	(pc) =	sbr.rel @p2 .LBB2_5-.Ltmp1, $4  }
0xf0: {  	v4 =	vmul.f32 $8.000000000e+00, v4;
	[tilespmem:s8+$0x104E0] =	vst v8;
	v9 =	vld [tilespmem:s8+$0x84F0]  }
0xf1: {  	v8 =	vld.idx.msk [tilespmem:v0+s8+$0x20F0 ss:$0x1], $0xffff  }
0xf2: {  	v14 =	vadd.f32 v15, v10;
	v10 =	vld.idx.msk [tilespmem:v0+s6+$0x2030 ss:$0x1], $0xffff  }
0xf3: {  	s9 =	sadd.s32 $0x400, s9;
	v13 =	vadd.f32 v16, v11;
	v11 =	vld.idx.msk [tilespmem:v0+s6+$0x2070 ss:$0x1], $0xffff  }
0xf4: {  	_ =	sdelay $0x3  }
0xf5: {  	[tilespmem:s8+$0x10420] =	vst v14;
	v7 =	vadd.f32 v7, v12;
	v12 =	vld.idx.msk [tilespmem:v0+s6+$0x20B0 ss:$0x1], $0xffff;
	v9 =	vmul.f32 $8.000000000e+00, v9  }
0xf6: {  	[tilespmem:s8+$0x10460] =	vst v13;
	v13 =	vld.idx.msk [tilespmem:v0+s8+$0x2030 ss:$0x1], $0xffff  }
0xf7: {  	[tilespmem:s8+$0x104A0] =	vst v7;
	v7 =	vadd.f32 v8, v9;
	v8 =	vld.idx.msk [tilespmem:v0+s8+$0x2070 ss:$0x1], $0xffff  }
0xf8: {  	v1 =	vadd.f32 v10, v1;
	v0 =	vld.idx.msk [tilespmem:v0+s8+$0x20B0 ss:$0x1], $0xffff  }
0xf9: {  	v2 =	vadd.f32 v11, v2;
	[tilespmem:s8+$0x104F0] =	vst v7  }
0xfa: {  	[tilespmem:s6+$0x10430] =	vst v1;
	v1 =	vadd.f32 v12, v3  }
0xfb: {  	v3 =	vmul.f32 $8.000000000e+00, v5;
	[tilespmem:s6+$0x10470] =	vst v2;
	v2 =	vadd.f32 v13, v6  }
0xfc: {  	[tilespmem:s6+$0x104B0] =	vst v1;
	v1 =	vadd.f32 v8, v4  }
0xfd: {  	[tilespmem:s8+$0x10430] =	vst v2;
	v0 =	vadd.f32 v0, v3  }
0xfe: {  	s9 =	simm.s32 @!p1 $0x8400;
	[tilespmem:s8+$0x10470] =	vst v1  }
0xff: {  	s25 =	sadd.s32 s7, s22;
	s6 =	sadd.s32 @!p1 $0x280, s12;
	[tilespmem:s8+$0x104B0] =	vst v0;
	s8 =	simm.s32 @!p1 $0x80  }
0x100: {  	[tilespmem:s9], [sflag:$0x2] =	stream.indirect.gather @!p1 [hbm4b:s4+s8], $0x40, s6, s8, $0xb8;
	[tilespmem:$0x1C800] =	vst v63  }
0x101: {  	s6 =	sshll.u32 s25, $0x3  }
0x102: {  	s6 =	sand.u32 $0x1FFFF400, s6  }
0x103: {  	s6 =	sadd.s32 s2, s6  }
0x104: {  	[hbm4b:s6+s3] =	stream.linear.scatter [tilespmem:s17], [sflag:$0x6], $0x2000, $0x38;
	[tilespmem:$0x1C800] =	vst v63  }
0x105: {  	_ =	swait.ge [sflag:s18], $0x2000  }
0x106: {  	[sflag:s18] =	ssyncset.done $0x0  }
0x107: {  	v0 =	vmov s5;
	s6 =	simm.s32 @!p0 $0x7;
	[sflag:s18] =	ssyncadd.s32 $0xFFFFE000  }
0x108: {  	_ =	swait.ge @!p0 [sflag:s6], $0x2000  }
0x109: {  	[sflag:s6] =	ssyncset.done @!p0 $0x0  }
0x10a: {  	s5 =	simm.s32 $0x0;
	[sflag:s6] =	ssyncadd.s32 @!p0 $0xFFFFE000  }
0x10b: {  	v1 =	vld [tilespmem:s5+$0xA4C0]  }
0x10c: {  	v2 =	vld.idx.msk [tilespmem:v0+s5+$0x40C0 ss:$0x1], $0xffff  }
0x10d: {  	v3 =	vld [tilespmem:s5+$0xA400]  }
0x10e: {  	v4 =	vld [tilespmem:s5+$0xA440]  }
0x10f: {  	v5 =	vld [tilespmem:s5+$0xA480]  }
0x110: {  	v6 =	vld.idx.msk [tilespmem:v0+s5+$0x4000 ss:$0x1], $0xffff  }
0x111: {  	v7 =	vld.idx.msk [tilespmem:v0+s5+$0x4080 ss:$0x1], $0xffff  }
0x112: {  	v8 =	vld [tilespmem:s5+$0xA410]  }
0x113: {  	v11 =	vld [tilespmem:s5+$0xA430]  }
0x114: {  	s6 =	simm.s32 $0x100;
	v12 =	vld [tilespmem:s5+$0xA4F0]  }
0x115: {  	v14 =	vld [tilespmem:s6+$0xA400];
	v1 =	vmul.f32 $8.000000000e+00, v1  }
0x116: {  	v15 =	vld [tilespmem:s6+$0xA440]  }
0x117: {  	v16 =	vld [tilespmem:s6+$0xA480];
	v1 =	vadd.f32 v2, v1  }
0x118: {  	v2 =	vld.idx.msk [tilespmem:v0+s5+$0x4040 ss:$0x1], $0xffff  }
0x119: {  	[tilespmem:s5+$0x124C0] =	vst v1;
	v1 =	vmul.f32 $8.000000000e+00, v3;
	v3 =	vld [tilespmem:s5+$0xA4D0]  }
0x11a: {  	v17 =	vld.idx.msk [tilespmem:v0+s6+$0x4040 ss:$0x1], $0xffff  }
0x11b: {  	v4 =	vmul.f32 $8.000000000e+00, v4;
	v9 =	vld.idx.msk [tilespmem:v0+s5+$0x40D0 ss:$0x1], $0xffff  }
0x11c: {  	v18 =	vld.idx.msk [tilespmem:v0+s6+$0x4080 ss:$0x1], $0xffff  }
0x11d: {  	v20 =	vld [tilespmem:s6+$0xA410];
	v2 =	vadd.f32 v2, v4  }
0x11e: {  	v1 =	vadd.f32 v6, v1;
	v6 =	vld [tilespmem:s5+$0xA450];
	v3 =	vmul.f32 $8.000000000e+00, v3  }
0x11f: {  	v55 =	vld [tilespmem:s6+$0xA450];
	[tilespmem:s5+$0x12440] =	vst v2  }
0x120: {  	v2 =	vld.idx.msk [tilespmem:v0+s5+$0x4050 ss:$0x1], $0xffff;
	v3 =	vadd.f32 v9, v3  }
0x121: {  	v56 =	vld [tilespmem:s6+$0xA490]  }
0x122: {  	v5 =	vmul.f32 $8.000000000e+00, v5;
	[tilespmem:s5+$0x124D0] =	vst v3;
	v3 =	vmul.f32 $8.000000000e+00, v8;
	v8 =	vld [tilespmem:s5+$0xA4E0]  }
0x123: {  	v59 =	vld [tilespmem:s6+$0xA460];
	v6 =	vmul.f32 $8.000000000e+00, v6  }
0x124: {  	v5 =	vadd.f32 v7, v5;
	v10 =	vld.idx.msk [tilespmem:v0+s5+$0x40E0 ss:$0x1], $0xffff  }
0x125: {  	v60 =	vld [tilespmem:s6+$0xA4A0];
	v2 =	vadd.f32 v2, v6  }
0x126: {  	v61 =	vld [tilespmem:s6+$0xA430];
	[tilespmem:s5+$0x12480] =	vst v5  }
0x127: {  	v62 =	vld [tilespmem:s6+$0xA470];
	[tilespmem:s5+$0x12450] =	vst v2;
	v2 =	vmul.f32 $8.000000000e+00, v8  }
0x128: {  	v15 =	vmul.f32 $8.000000000e+00, v15;
	v5 =	vld.idx.msk [tilespmem:v0+s5+$0x4090 ss:$0x1], $0xffff  }
0x129: {  	v8 =	vld [tilespmem:s6+$0xA4C0];
	v2 =	vadd.f32 v10, v2  }
0x12a: {  	v15 =	vadd.f32 v17, v15;
	v4 =	vld [tilespmem:s5+$0xA490];
	[tilespmem:s5+$0x12400] =	vst v1  }
0x12b: {  	[tilespmem:s5+$0x124E0] =	vst v2;
	v2 =	vld.idx.msk [tilespmem:v0+s6+$0x40C0 ss:$0x1], $0xffff  }
0x12c: {  	[tilespmem:s6+$0x12440] =	vst v15;
	v7 =	vld.idx.msk [tilespmem:v0+s5+$0x4010 ss:$0x1], $0xffff  }
0x12d: {  	v15 =	vld.idx.msk [tilespmem:v0+s6+$0x4050 ss:$0x1], $0xffff  }
0x12e: {  	v1 =	vld [tilespmem:s5+$0xA420];
	v8 =	vmul.f32 $8.000000000e+00, v8  }
0x12f: {  	v9 =	vld [tilespmem:s5+$0xA460]  }
0x130: {  	v4 =	vmul.f32 $8.000000000e+00, v4;
	v2 =	vadd.f32 v2, v8;
	v8 =	vld.idx.msk [tilespmem:v0+s6+$0x4000 ss:$0x1], $0xffff  }
0x131: {  	v3 =	vadd.f32 v7, v3;
	v7 =	vld [tilespmem:s5+$0xA4A0]  }
0x132: {  	v4 =	vadd.f32 v5, v4;
	[tilespmem:s6+$0x124C0] =	vst v2;
	v2 =	vld [tilespmem:s6+$0xA4D0]  }
0x133: {  	v14 =	vmul.f32 $8.000000000e+00, v14;
	[tilespmem:s5+$0x12410] =	vst v3;
	v3 =	vld [tilespmem:s5+$0xA470]  }
0x134: {  	[tilespmem:s5+$0x12490] =	vst v4;
	v19 =	vld.idx.msk [tilespmem:v0+s6+$0x40D0 ss:$0x1], $0xffff  }
0x135: {  	v4 =	vld.idx.msk [tilespmem:v0+s5+$0x40A0 ss:$0x1], $0xffff;
	v8 =	vadd.f32 v8, v14;
	v14 =	vmul.f32 $8.000000000e+00, v16  }
0x136: {  	v5 =	vld.idx.msk [tilespmem:v0+s5+$0x4020 ss:$0x1], $0xffff  }
0x137: {  	v6 =	vld.idx.msk [tilespmem:v0+s5+$0x4060 ss:$0x1], $0xffff;
	[tilespmem:s6+$0x12400] =	vst v8;
	v2 =	vmul.f32 $8.000000000e+00, v2;
	v14 =	vadd.f32 v18, v14  }
0x138: {  	v57 =	vld.idx.msk [tilespmem:v0+s6+$0x4010 ss:$0x1], $0xffff  }
0x139: {  	v10 =	vld [tilespmem:s5+$0xA4B0];
	v2 =	vadd.f32 v19, v2;
	[tilespmem:s6+$0x12480] =	vst v14  }
0x13a: {  	v14 =	vld.idx.msk [tilespmem:v0+s6+$0x4090 ss:$0x1], $0xffff  }
0x13b: {  	v58 =	vmul.f32 $8.000000000e+00, v20;
	[tilespmem:s6+$0x124D0] =	vst v2;
	v2 =	vld [tilespmem:s6+$0xA4E0]  }
0x13c: {  	v13 =	vld.idx.msk [tilespmem:v0+s5+$0x40F0 ss:$0x1], $0xffff;
	v16 =	vmul.f32 $8.000000000e+00, v55  }
0x13d: {  	v17 =	vmul.f32 $8.000000000e+00, v56;
	v1 =	vmul.f32 $8.000000000e+00, v1;
	v21 =	vld.idx.msk [tilespmem:v0+s6+$0x40E0 ss:$0x1], $0xffff;
	v18 =	vadd.f32 v57, v58  }
0x13e: {  	v8 =	vld [tilespmem:s6+$0xA420];
	v15 =	vadd.f32 v15, v16  }
0x13f: {  	v9 =	vmul.f32 $8.000000000e+00, v9;
	v1 =	vadd.f32 v5, v1;
	v5 =	vld [tilespmem:s6+$0xA4B0];
	[tilespmem:s6+$0x12410] =	vst v18;
	v14 =	vadd.f32 v14, v17  }
0x140: {  	[tilespmem:s6+$0x12450] =	vst v15;
	v2 =	vmul.f32 $8.000000000e+00, v2;
	v15 =	vld.idx.msk [tilespmem:v0+s6+$0x4020 ss:$0x1], $0xffff  }
0x141: {  	v12 =	vmul.f32 $8.000000000e+00, v12;
	v6 =	vadd.f32 v6, v9;
	v63 =	vld.idx.msk [tilespmem:v0+s6+$0x4060 ss:$0x1], $0xffff;
	[tilespmem:s6+$0x12490] =	vst v14  }
0x142: {  	[tilespmem:s5+$0x12420] =	vst v1;
	v1 =	vmul.f32 $8.000000000e+00, v11;
	v14 =	vmul.f32 $8.000000000e+00, v7;
	v2 =	vadd.f32 v21, v2;
	v7 =	vld.idx.msk [tilespmem:v0+s6+$0x40A0 ss:$0x1], $0xffff  }
0x143: {  	v9 =	vld [tilespmem:s6+$0xA4F0];
	[tilespmem:s5+$0x12460] =	vst v6;
	v6 =	vadd.f32 v13, v12;
	v13 =	vmul.f32 $8.000000000e+00, v59;
	v11 =	vmul.f32 $8.000000000e+00, v8  }
0x144: {  	v4 =	vadd.f32 v4, v14;
	[tilespmem:s6+$0x124E0] =	vst v2;
	v2 =	vmul.f32 $8.000000000e+00, v3;
	v3 =	vmul.f32 $8.000000000e+00, v10;
	v10 =	vld.idx.msk [tilespmem:v0+s5+$0x4030 ss:$0x1], $0xffff  }
0x145: {  	v12 =	vmul.f32 $8.000000000e+00, v60;
	[tilespmem:s5+$0x124F0] =	vst v6;
	v8 =	vld.idx.msk [tilespmem:v0+s6+$0x40F0 ss:$0x1], $0xffff;
	v14 =	vadd.f32 v15, v11  }
0x146: {  	s22 =	simm.s32 $0x4;
	s8 =	sor.u32 $0x100, s11;
	s9 =	simm.s32 $0x800;
	v6 =	vmul.f32 $8.000000000e+00, v61;
	v13 =	vadd.f32 v63, v13;
	[tilespmem:s5+$0x124A0] =	vst v4;
	v4 =	vmul.f32 $8.000000000e+00, v62;
	v11 =	vld.idx.msk [tilespmem:v0+s5+$0x4070 ss:$0x1], $0xffff  }
.LBB2_7:
0x147: {  	s23 =	sshra.s32 s9, $0x2;
	s22 =	sadd.s32 $0x4, s22;
	[tilespmem:s6+$0x12420] =	vst v14;
	v7 =	vadd.f32 v7, v12;
	v5 =	vmul.f32 $8.000000000e+00, v5;
	v12 =	vld.idx.msk [tilespmem:v0+s5+$0x40B0 ss:$0x1], $0xffff  }
0x148: {  	v14 =	vld [tilespmem:s23+$0xA4C0];
	p2 =	slt.u32 s22, $0x7C;
	[tilespmem:s6+$0x12460] =	vst v13;
	v9 =	vmul.f32 $8.000000000e+00, v9  }
0x149: {  	v13 =	vld.idx.msk [tilespmem:v0+s23+$0x40C0 ss:$0x1], $0xffff;
	[tilespmem:s6+$0x124A0] =	vst v7  }
0x14a: {  	v7 =	vld [tilespmem:s23+$0xA400];
	v8 =	vadd.f32 v8, v9  }
0x14b: {  	v10 =	vadd.f32 v10, v1;
	v1 =	vmov v6;
	v9 =	vld [tilespmem:s23+$0xA440]  }
0x14c: {  	v6 =	vld [tilespmem:s23+$0xA480];
	[tilespmem:s6+$0x124F0] =	vst v8;
	v8 =	vadd.f32 v11, v2;
	v2 =	vmov v4  }
0x14d: {  	v4 =	vld.idx.msk [tilespmem:v0+s23+$0x4000 ss:$0x1], $0xffff;
	v11 =	vmul.f32 $8.000000000e+00, v14;
	[tilespmem:s5+$0x12430] =	vst v10;
	v10 =	vadd.f32 v12, v3;
	v3 =	vmov v5  }
0x14e: {  	v5 =	vld.idx.msk [tilespmem:v0+s23+$0x4040 ss:$0x1], $0xffff;
	[tilespmem:s5+$0x12470] =	vst v8  }
0x14f: {  	v7 =	vmul.f32 $8.000000000e+00, v7;
	v8 =	vld.idx.msk [tilespmem:v0+s23+$0x4080 ss:$0x1], $0xffff;
	v11 =	vadd.f32 v13, v11;
	[tilespmem:s5+$0x124B0] =	vst v10;
	s5 =	smov.u32 s6;
	s6 =	smov.u32 s23  }
0x150: {  	v10 =	vld [tilespmem:s6+$0xA410];
	v9 =	vmul.f32 $8.000000000e+00, v9  }
0x151: {  	v6 =	vmul.f32 $8.000000000e+00, v6;
	[tilespmem:s6+$0x124C0] =	vst v11;
	v11 =	vld [tilespmem:s6+$0xA4D0]  }
0x152: {  	v12 =	vld.idx.msk [tilespmem:v0+s6+$0x40D0 ss:$0x1], $0xffff  }
0x153: {  	v4 =	vadd.f32 v4, v7;
	v7 =	vld [tilespmem:s6+$0xA450]  }
0x154: {  	v5 =	vadd.f32 v5, v9;
	v9 =	vld [tilespmem:s6+$0xA490]  }
0x155: {  	v6 =	vadd.f32 v8, v6;
	[tilespmem:s6+$0x12400] =	vst v4;
	v4 =	vmul.f32 $8.000000000e+00, v10;
	v10 =	vld [tilespmem:s6+$0xA420]  }
0x156: {  	v8 =	vld.idx.msk [tilespmem:v0+s6+$0x4010 ss:$0x1], $0xffff;
	[tilespmem:s6+$0x12440] =	vst v5;
	v5 =	vmul.f32 $8.000000000e+00, v11  }
0x157: {  	v11 =	vld.idx.msk [tilespmem:v0+s6+$0x4050 ss:$0x1], $0xffff;
	[tilespmem:s6+$0x12480] =	vst v6  }
0x158: {  	v6 =	vmul.f32 $8.000000000e+00, v7;
	v7 =	vld.idx.msk [tilespmem:v0+s6+$0x4090 ss:$0x1], $0xffff;
	v5 =	vadd.f32 v12, v5  }
0x159: {  	v12 =	vld [tilespmem:s6+$0xA460];
	v9 =	vmul.f32 $8.000000000e+00, v9  }
0x15a: {  	v10 =	vmul.f32 $8.000000000e+00, v10;
	[tilespmem:s6+$0x124D0] =	vst v5;
	v5 =	vld [tilespmem:s6+$0xA4E0]  }
0x15b: {  	v13 =	vld.idx.msk [tilespmem:v0+s6+$0x40E0 ss:$0x1], $0xffff  }
0x15c: {  	v4 =	vadd.f32 v8, v4;
	v8 =	vld [tilespmem:s6+$0xA4A0]  }
0x15d: {  	v6 =	vadd.f32 v11, v6;
	v14 =	vld [tilespmem:s6+$0xA430]  }
0x15e: {  	v7 =	vadd.f32 v7, v9;
	[tilespmem:s6+$0x12410] =	vst v4;
	v11 =	vmul.f32 $8.000000000e+00, v12;
	v4 =	vld [tilespmem:s6+$0xA470]  }
0x15f: {  	v15 =	vld.idx.msk [tilespmem:v0+s6+$0x4020 ss:$0x1], $0xffff;
	[tilespmem:s6+$0x12450] =	vst v6;
	v5 =	vmul.f32 $8.000000000e+00, v5  }
0x160: {  	v16 =	vld.idx.msk [tilespmem:v0+s6+$0x4060 ss:$0x1], $0xffff;
	[tilespmem:s6+$0x12490] =	vst v7  }
0x161: {  	v12 =	vmul.f32 $8.000000000e+00, v8;
	v7 =	vld.idx.msk [tilespmem:v0+s6+$0x40A0 ss:$0x1], $0xffff;
	v8 =	vadd.f32 v13, v5  }
.Ltmp2:
0x162: {  	v6 =	vmul.f32 $8.000000000e+00, v14;
	v5 =	vld [tilespmem:s6+$0xA4B0];
	(pc) =	sbr.rel @p2 .LBB2_7-.Ltmp2, $4  }
0x163: {  	v4 =	vmul.f32 $8.000000000e+00, v4;
	[tilespmem:s6+$0x124E0] =	vst v8;
	v9 =	vld [tilespmem:s6+$0xA4F0]  }
0x164: {  	v8 =	vld.idx.msk [tilespmem:v0+s6+$0x40F0 ss:$0x1], $0xffff  }
0x165: {  	v14 =	vadd.f32 v15, v10;
	v10 =	vld.idx.msk [tilespmem:v0+s5+$0x4030 ss:$0x1], $0xffff  }
0x166: {  	s9 =	sadd.s32 $0x400, s9;
	v13 =	vadd.f32 v16, v11;
	v11 =	vld.idx.msk [tilespmem:v0+s5+$0x4070 ss:$0x1], $0xffff  }
0x167: {  	_ =	sdelay $0x3  }
0x168: {  	[tilespmem:s6+$0x12420] =	vst v14;
	v7 =	vadd.f32 v7, v12;
	v12 =	vld.idx.msk [tilespmem:v0+s5+$0x40B0 ss:$0x1], $0xffff;
	v9 =	vmul.f32 $8.000000000e+00, v9  }
0x169: {  	[tilespmem:s6+$0x12460] =	vst v13;
	v13 =	vld.idx.msk [tilespmem:v0+s6+$0x4030 ss:$0x1], $0xffff  }
0x16a: {  	[tilespmem:s6+$0x124A0] =	vst v7;
	v7 =	vadd.f32 v8, v9;
	v8 =	vld.idx.msk [tilespmem:v0+s6+$0x4070 ss:$0x1], $0xffff  }
0x16b: {  	v1 =	vadd.f32 v10, v1;
	v0 =	vld.idx.msk [tilespmem:v0+s6+$0x40B0 ss:$0x1], $0xffff  }
0x16c: {  	v2 =	vadd.f32 v11, v2;
	[tilespmem:s6+$0x124F0] =	vst v7  }
0x16d: {  	[tilespmem:s5+$0x12430] =	vst v1;
	v1 =	vadd.f32 v12, v3  }
0x16e: {  	v3 =	vmul.f32 $8.000000000e+00, v5;
	[tilespmem:s5+$0x12470] =	vst v2;
	v2 =	vadd.f32 v13, v6  }
0x16f: {  	[tilespmem:s5+$0x124B0] =	vst v1;
	v1 =	vadd.f32 v8, v4  }
0x170: {  	[tilespmem:s6+$0x12430] =	vst v2;
	v0 =	vadd.f32 v0, v3  }
0x171: {  	s9 =	simm.s32 @!p1 $0xA400;
	[tilespmem:s6+$0x12470] =	vst v1  }
0x172: {  	s25 =	sadd.s32 s7, s8;
	s5 =	sadd.s32 @!p1 $0x300, s12;
	[tilespmem:s6+$0x124B0] =	vst v0;
	s6 =	simm.s32 @!p1 $0x80  }
0x173: {  	[tilespmem:s9], [sflag:$0x3] =	stream.indirect.gather @!p1 [hbm4b:s4+s6], $0x40, s5, s6, $0xb8;
	[tilespmem:$0x1C800] =	vst v63  }
0x174: {  	s5 =	sshll.u32 s25, $0x3  }
0x175: {  	s5 =	sand.u32 $0x1FFFF800, s5  }
0x176: {  	s5 =	sadd.s32 s2, s5  }
0x177: {  	[hbm4b:s5+s3] =	stream.linear.scatter [tilespmem:s19], [sflag:$0x7], $0x2000, $0x38;
	[tilespmem:$0x1C800] =	vst v63  }
0x178: {  	_ =	swait.ge [sflag:s20], $0x2000  }
0x179: {  	[sflag:s20] =	ssyncset.done $0x0  }
0x17a: {  	v0 =	vmov s13;
	s5 =	simm.s32 @!p0 $0x8;
	[sflag:s20] =	ssyncadd.s32 $0xFFFFE000  }
0x17b: {  	_ =	swait.ge @!p0 [sflag:s5], $0x2000  }
0x17c: {  	[sflag:s5] =	ssyncset.done @!p0 $0x0  }
0x17d: {  	[sflag:s5] =	ssyncadd.s32 @!p0 $0xFFFFE000;
	s5 =	simm.s32 $0x0  }
0x17e: {  	v1 =	vld [tilespmem:s5+$0xC4C0]  }
0x17f: {  	v2 =	vld.idx.msk [tilespmem:v0+s5+$0x60C0 ss:$0x1], $0xffff  }
0x180: {  	v3 =	vld [tilespmem:s5+$0xC400]  }
0x181: {  	v4 =	vld [tilespmem:s5+$0xC440]  }
0x182: {  	v5 =	vld [tilespmem:s5+$0xC480]  }
0x183: {  	v6 =	vld.idx.msk [tilespmem:v0+s5+$0x6000 ss:$0x1], $0xffff  }
0x184: {  	v7 =	vld.idx.msk [tilespmem:v0+s5+$0x6080 ss:$0x1], $0xffff  }
0x185: {  	v8 =	vld [tilespmem:s5+$0xC410]  }
0x186: {  	v11 =	vld [tilespmem:s5+$0xC430]  }
0x187: {  	s6 =	simm.s32 $0x100;
	v12 =	vld [tilespmem:s5+$0xC4F0]  }
0x188: {  	v14 =	vld [tilespmem:s6+$0xC400];
	v1 =	vmul.f32 $8.000000000e+00, v1  }
0x189: {  	v15 =	vld [tilespmem:s6+$0xC440]  }
0x18a: {  	v16 =	vld [tilespmem:s6+$0xC480];
	v1 =	vadd.f32 v2, v1  }
0x18b: {  	v2 =	vld.idx.msk [tilespmem:v0+s5+$0x6040 ss:$0x1], $0xffff  }
0x18c: {  	[tilespmem:s5+$0x144C0] =	vst v1;
	v1 =	vmul.f32 $8.000000000e+00, v3;
	v3 =	vld [tilespmem:s5+$0xC4D0]  }
0x18d: {  	v17 =	vld.idx.msk [tilespmem:v0+s6+$0x6040 ss:$0x1], $0xffff  }
0x18e: {  	v4 =	vmul.f32 $8.000000000e+00, v4;
	v9 =	vld.idx.msk [tilespmem:v0+s5+$0x60D0 ss:$0x1], $0xffff  }
0x18f: {  	v18 =	vld.idx.msk [tilespmem:v0+s6+$0x6080 ss:$0x1], $0xffff  }
0x190: {  	v20 =	vld [tilespmem:s6+$0xC410];
	v2 =	vadd.f32 v2, v4  }
0x191: {  	v1 =	vadd.f32 v6, v1;
	v6 =	vld [tilespmem:s5+$0xC450];
	v3 =	vmul.f32 $8.000000000e+00, v3  }
0x192: {  	v55 =	vld [tilespmem:s6+$0xC450];
	[tilespmem:s5+$0x14440] =	vst v2  }
0x193: {  	v2 =	vld.idx.msk [tilespmem:v0+s5+$0x6050 ss:$0x1], $0xffff;
	v3 =	vadd.f32 v9, v3  }
0x194: {  	v56 =	vld [tilespmem:s6+$0xC490]  }
0x195: {  	v5 =	vmul.f32 $8.000000000e+00, v5;
	[tilespmem:s5+$0x144D0] =	vst v3;
	v3 =	vmul.f32 $8.000000000e+00, v8;
	v8 =	vld [tilespmem:s5+$0xC4E0]  }
0x196: {  	v59 =	vld [tilespmem:s6+$0xC460];
	v6 =	vmul.f32 $8.000000000e+00, v6  }
0x197: {  	v5 =	vadd.f32 v7, v5;
	v10 =	vld.idx.msk [tilespmem:v0+s5+$0x60E0 ss:$0x1], $0xffff  }
0x198: {  	v60 =	vld [tilespmem:s6+$0xC4A0];
	v2 =	vadd.f32 v2, v6  }
0x199: {  	v61 =	vld [tilespmem:s6+$0xC430];
	[tilespmem:s5+$0x14480] =	vst v5  }
0x19a: {  	v62 =	vld [tilespmem:s6+$0xC470];
	[tilespmem:s5+$0x14450] =	vst v2;
	v2 =	vmul.f32 $8.000000000e+00, v8  }
0x19b: {  	v15 =	vmul.f32 $8.000000000e+00, v15;
	v5 =	vld.idx.msk [tilespmem:v0+s5+$0x6090 ss:$0x1], $0xffff  }
0x19c: {  	v8 =	vld [tilespmem:s6+$0xC4C0];
	v2 =	vadd.f32 v10, v2  }
0x19d: {  	v15 =	vadd.f32 v17, v15;
	v4 =	vld [tilespmem:s5+$0xC490];
	[tilespmem:s5+$0x14400] =	vst v1  }
0x19e: {  	[tilespmem:s5+$0x144E0] =	vst v2;
	v2 =	vld.idx.msk [tilespmem:v0+s6+$0x60C0 ss:$0x1], $0xffff  }
0x19f: {  	[tilespmem:s6+$0x14440] =	vst v15;
	v7 =	vld.idx.msk [tilespmem:v0+s5+$0x6010 ss:$0x1], $0xffff  }
0x1a0: {  	v15 =	vld.idx.msk [tilespmem:v0+s6+$0x6050 ss:$0x1], $0xffff  }
0x1a1: {  	v1 =	vld [tilespmem:s5+$0xC420];
	v8 =	vmul.f32 $8.000000000e+00, v8  }
0x1a2: {  	v9 =	vld [tilespmem:s5+$0xC460]  }
0x1a3: {  	v4 =	vmul.f32 $8.000000000e+00, v4;
	v2 =	vadd.f32 v2, v8;
	v8 =	vld.idx.msk [tilespmem:v0+s6+$0x6000 ss:$0x1], $0xffff  }
0x1a4: {  	v3 =	vadd.f32 v7, v3;
	v7 =	vld [tilespmem:s5+$0xC4A0]  }
0x1a5: {  	v4 =	vadd.f32 v5, v4;
	[tilespmem:s6+$0x144C0] =	vst v2;
	v2 =	vld [tilespmem:s6+$0xC4D0]  }
0x1a6: {  	v14 =	vmul.f32 $8.000000000e+00, v14;
	[tilespmem:s5+$0x14410] =	vst v3;
	v3 =	vld [tilespmem:s5+$0xC470]  }
0x1a7: {  	[tilespmem:s5+$0x14490] =	vst v4;
	v19 =	vld.idx.msk [tilespmem:v0+s6+$0x60D0 ss:$0x1], $0xffff  }
0x1a8: {  	v4 =	vld.idx.msk [tilespmem:v0+s5+$0x60A0 ss:$0x1], $0xffff;
	v8 =	vadd.f32 v8, v14;
	v14 =	vmul.f32 $8.000000000e+00, v16  }
0x1a9: {  	v5 =	vld.idx.msk [tilespmem:v0+s5+$0x6020 ss:$0x1], $0xffff  }
0x1aa: {  	v6 =	vld.idx.msk [tilespmem:v0+s5+$0x6060 ss:$0x1], $0xffff;
	[tilespmem:s6+$0x14400] =	vst v8;
	v2 =	vmul.f32 $8.000000000e+00, v2;
	v14 =	vadd.f32 v18, v14  }
0x1ab: {  	v57 =	vld.idx.msk [tilespmem:v0+s6+$0x6010 ss:$0x1], $0xffff  }
0x1ac: {  	v10 =	vld [tilespmem:s5+$0xC4B0];
	v2 =	vadd.f32 v19, v2;
	[tilespmem:s6+$0x14480] =	vst v14  }
0x1ad: {  	v14 =	vld.idx.msk [tilespmem:v0+s6+$0x6090 ss:$0x1], $0xffff  }
0x1ae: {  	v58 =	vmul.f32 $8.000000000e+00, v20;
	[tilespmem:s6+$0x144D0] =	vst v2;
	v2 =	vld [tilespmem:s6+$0xC4E0]  }
0x1af: {  	v13 =	vld.idx.msk [tilespmem:v0+s5+$0x60F0 ss:$0x1], $0xffff;
	v16 =	vmul.f32 $8.000000000e+00, v55  }
0x1b0: {  	v17 =	vmul.f32 $8.000000000e+00, v56;
	v1 =	vmul.f32 $8.000000000e+00, v1;
	v21 =	vld.idx.msk [tilespmem:v0+s6+$0x60E0 ss:$0x1], $0xffff;
	v18 =	vadd.f32 v57, v58  }
0x1b1: {  	v8 =	vld [tilespmem:s6+$0xC420];
	v15 =	vadd.f32 v15, v16  }
0x1b2: {  	v9 =	vmul.f32 $8.000000000e+00, v9;
	v1 =	vadd.f32 v5, v1;
	v5 =	vld [tilespmem:s6+$0xC4B0];
	[tilespmem:s6+$0x14410] =	vst v18;
	v14 =	vadd.f32 v14, v17  }
0x1b3: {  	[tilespmem:s6+$0x14450] =	vst v15;
	v2 =	vmul.f32 $8.000000000e+00, v2;
	v15 =	vld.idx.msk [tilespmem:v0+s6+$0x6020 ss:$0x1], $0xffff  }
0x1b4: {  	v12 =	vmul.f32 $8.000000000e+00, v12;
	v6 =	vadd.f32 v6, v9;
	v63 =	vld.idx.msk [tilespmem:v0+s6+$0x6060 ss:$0x1], $0xffff;
	[tilespmem:s6+$0x14490] =	vst v14  }
0x1b5: {  	[tilespmem:s5+$0x14420] =	vst v1;
	v1 =	vmul.f32 $8.000000000e+00, v11;
	v14 =	vmul.f32 $8.000000000e+00, v7;
	v2 =	vadd.f32 v21, v2;
	v7 =	vld.idx.msk [tilespmem:v0+s6+$0x60A0 ss:$0x1], $0xffff  }
0x1b6: {  	v9 =	vld [tilespmem:s6+$0xC4F0];
	[tilespmem:s5+$0x14460] =	vst v6;
	v6 =	vadd.f32 v13, v12;
	v13 =	vmul.f32 $8.000000000e+00, v59;
	v11 =	vmul.f32 $8.000000000e+00, v8  }
0x1b7: {  	v4 =	vadd.f32 v4, v14;
	[tilespmem:s6+$0x144E0] =	vst v2;
	v2 =	vmul.f32 $8.000000000e+00, v3;
	v3 =	vmul.f32 $8.000000000e+00, v10;
	v10 =	vld.idx.msk [tilespmem:v0+s5+$0x6030 ss:$0x1], $0xffff  }
0x1b8: {  	v12 =	vmul.f32 $8.000000000e+00, v60;
	[tilespmem:s5+$0x144F0] =	vst v6;
	v8 =	vld.idx.msk [tilespmem:v0+s6+$0x60F0 ss:$0x1], $0xffff;
	v14 =	vadd.f32 v15, v11  }
0x1b9: {  	s8 =	sor.u32 $0x180, s11;
	s11 =	simm.s32 $0x4;
	s9 =	simm.s32 $0x800;
	v6 =	vmul.f32 $8.000000000e+00, v61;
	v13 =	vadd.f32 v63, v13;
	[tilespmem:s5+$0x144A0] =	vst v4;
	v4 =	vmul.f32 $8.000000000e+00, v62;
	v11 =	vld.idx.msk [tilespmem:v0+s5+$0x6070 ss:$0x1], $0xffff  }
.LBB2_9:
0x1ba: {  	s13 =	sshra.s32 s9, $0x2;
	s11 =	sadd.s32 $0x4, s11;
	[tilespmem:s6+$0x14420] =	vst v14;
	v7 =	vadd.f32 v7, v12;
	v5 =	vmul.f32 $8.000000000e+00, v5;
	v12 =	vld.idx.msk [tilespmem:v0+s5+$0x60B0 ss:$0x1], $0xffff  }
0x1bb: {  	v14 =	vld [tilespmem:s13+$0xC4C0];
	p0 =	slt.u32 s11, $0x7C;
	[tilespmem:s6+$0x14460] =	vst v13;
	v9 =	vmul.f32 $8.000000000e+00, v9  }
0x1bc: {  	v13 =	vld.idx.msk [tilespmem:v0+s13+$0x60C0 ss:$0x1], $0xffff;
	[tilespmem:s6+$0x144A0] =	vst v7  }
0x1bd: {  	v7 =	vld [tilespmem:s13+$0xC400];
	v8 =	vadd.f32 v8, v9  }
0x1be: {  	v10 =	vadd.f32 v10, v1;
	v1 =	vmov v6;
	v9 =	vld [tilespmem:s13+$0xC440]  }
0x1bf: {  	v6 =	vld [tilespmem:s13+$0xC480];
	[tilespmem:s6+$0x144F0] =	vst v8;
	v8 =	vadd.f32 v11, v2;
	v2 =	vmov v4  }
0x1c0: {  	v4 =	vld.idx.msk [tilespmem:v0+s13+$0x6000 ss:$0x1], $0xffff;
	v11 =	vmul.f32 $8.000000000e+00, v14;
	[tilespmem:s5+$0x14430] =	vst v10;
	v10 =	vadd.f32 v12, v3;
	v3 =	vmov v5  }
0x1c1: {  	v5 =	vld.idx.msk [tilespmem:v0+s13+$0x6040 ss:$0x1], $0xffff;
	[tilespmem:s5+$0x14470] =	vst v8  }
0x1c2: {  	v7 =	vmul.f32 $8.000000000e+00, v7;
	v8 =	vld.idx.msk [tilespmem:v0+s13+$0x6080 ss:$0x1], $0xffff;
	v11 =	vadd.f32 v13, v11;
	[tilespmem:s5+$0x144B0] =	vst v10;
	s5 =	smov.u32 s6;
	s6 =	smov.u32 s13  }
0x1c3: {  	v10 =	vld [tilespmem:s6+$0xC410];
	v9 =	vmul.f32 $8.000000000e+00, v9  }
0x1c4: {  	v6 =	vmul.f32 $8.000000000e+00, v6;
	[tilespmem:s6+$0x144C0] =	vst v11;
	v11 =	vld [tilespmem:s6+$0xC4D0]  }
0x1c5: {  	v12 =	vld.idx.msk [tilespmem:v0+s6+$0x60D0 ss:$0x1], $0xffff  }
0x1c6: {  	v4 =	vadd.f32 v4, v7;
	v7 =	vld [tilespmem:s6+$0xC450]  }
0x1c7: {  	v5 =	vadd.f32 v5, v9;
	v9 =	vld [tilespmem:s6+$0xC490]  }
0x1c8: {  	v6 =	vadd.f32 v8, v6;
	[tilespmem:s6+$0x14400] =	vst v4;
	v4 =	vmul.f32 $8.000000000e+00, v10;
	v10 =	vld [tilespmem:s6+$0xC420]  }
0x1c9: {  	v8 =	vld.idx.msk [tilespmem:v0+s6+$0x6010 ss:$0x1], $0xffff;
	[tilespmem:s6+$0x14440] =	vst v5;
	v5 =	vmul.f32 $8.000000000e+00, v11  }
0x1ca: {  	v11 =	vld.idx.msk [tilespmem:v0+s6+$0x6050 ss:$0x1], $0xffff;
	[tilespmem:s6+$0x14480] =	vst v6  }
0x1cb: {  	v6 =	vmul.f32 $8.000000000e+00, v7;
	v7 =	vld.idx.msk [tilespmem:v0+s6+$0x6090 ss:$0x1], $0xffff;
	v5 =	vadd.f32 v12, v5  }
0x1cc: {  	v12 =	vld [tilespmem:s6+$0xC460];
	v9 =	vmul.f32 $8.000000000e+00, v9  }
0x1cd: {  	v10 =	vmul.f32 $8.000000000e+00, v10;
	[tilespmem:s6+$0x144D0] =	vst v5;
	v5 =	vld [tilespmem:s6+$0xC4E0]  }
0x1ce: {  	v13 =	vld.idx.msk [tilespmem:v0+s6+$0x60E0 ss:$0x1], $0xffff  }
0x1cf: {  	v4 =	vadd.f32 v8, v4;
	v8 =	vld [tilespmem:s6+$0xC4A0]  }
0x1d0: {  	v6 =	vadd.f32 v11, v6;
	v14 =	vld [tilespmem:s6+$0xC430]  }
0x1d1: {  	v7 =	vadd.f32 v7, v9;
	[tilespmem:s6+$0x14410] =	vst v4;
	v11 =	vmul.f32 $8.000000000e+00, v12;
	v4 =	vld [tilespmem:s6+$0xC470]  }
0x1d2: {  	v15 =	vld.idx.msk [tilespmem:v0+s6+$0x6020 ss:$0x1], $0xffff;
	[tilespmem:s6+$0x14450] =	vst v6;
	v5 =	vmul.f32 $8.000000000e+00, v5  }
0x1d3: {  	v16 =	vld.idx.msk [tilespmem:v0+s6+$0x6060 ss:$0x1], $0xffff;
	[tilespmem:s6+$0x14490] =	vst v7  }
0x1d4: {  	v12 =	vmul.f32 $8.000000000e+00, v8;
	v7 =	vld.idx.msk [tilespmem:v0+s6+$0x60A0 ss:$0x1], $0xffff;
	v8 =	vadd.f32 v13, v5  }
.Ltmp3:
0x1d5: {  	v6 =	vmul.f32 $8.000000000e+00, v14;
	v5 =	vld [tilespmem:s6+$0xC4B0];
	(pc) =	sbr.rel @p0 .LBB2_9-.Ltmp3, $4  }
0x1d6: {  	v4 =	vmul.f32 $8.000000000e+00, v4;
	[tilespmem:s6+$0x144E0] =	vst v8;
	v9 =	vld [tilespmem:s6+$0xC4F0]  }
0x1d7: {  	v8 =	vld.idx.msk [tilespmem:v0+s6+$0x60F0 ss:$0x1], $0xffff  }
0x1d8: {  	v14 =	vadd.f32 v15, v10;
	v10 =	vld.idx.msk [tilespmem:v0+s5+$0x6030 ss:$0x1], $0xffff  }
0x1d9: {  	s9 =	sadd.s32 $0x400, s9;
	v13 =	vadd.f32 v16, v11;
	v11 =	vld.idx.msk [tilespmem:v0+s5+$0x6070 ss:$0x1], $0xffff  }
0x1da: {  	_ =	sdelay $0x3  }
0x1db: {  	[tilespmem:s6+$0x14420] =	vst v14;
	v7 =	vadd.f32 v7, v12;
	v55 =	vld.idx.msk [tilespmem:v0+s5+$0x60B0 ss:$0x1], $0xffff;
	v9 =	vmul.f32 $8.000000000e+00, v9  }
0x1dc: {  	[tilespmem:s6+$0x14460] =	vst v13;
	v56 =	vld.idx.msk [tilespmem:v0+s6+$0x6030 ss:$0x1], $0xffff  }
0x1dd: {  	[tilespmem:s6+$0x144A0] =	vst v7;
	v58 =	vld.idx.msk [tilespmem:v0+s6+$0x6070 ss:$0x1], $0xffff;
	v57 =	vadd.f32 v8, v9  }
0x1de: {  	v1 =	vadd.f32 v10, v1;
	v59 =	vld.idx.msk [tilespmem:v0+s6+$0x60B0 ss:$0x1], $0xffff  }
0x1df: {  	v2 =	vadd.f32 v11, v2;
	[tilespmem:s6+$0x144F0] =	vst v57  }
0x1e0: {  	[tilespmem:s5+$0x14430] =	vst v1;
	v60 =	vadd.f32 v55, v3  }
0x1e1: {  	v61 =	vmul.f32 $8.000000000e+00, v5;
	[tilespmem:s5+$0x14470] =	vst v2;
	v62 =	vadd.f32 v56, v6  }
0x1e2: {  	[tilespmem:s5+$0x144B0] =	vst v60;
	v63 =	vadd.f32 v58, v4  }
0x1e3: {  	[tilespmem:s6+$0x14430] =	vst v62;
	v0 =	vadd.f32 v59, v61  }
0x1e4: {  	s9 =	simm.s32 @!p1 $0xC400;
	s10 =	sadd.s32 $0x1, s10;
	[tilespmem:s6+$0x14470] =	vst v63  }
0x1e5: {  	p0 =	sne.s32 s10, $0x32;
	s5 =	sadd.s32 @!p1 $0x380, s12;
	[tilespmem:s6+$0x144B0] =	vst v0;
	s6 =	simm.s32 @!p1 $0x80  }
0x1e6: {  	[tilespmem:s9], [sflag:$0x4] =	stream.indirect.gather @!p1 [hbm4b:s4+s6], $0x40, s5, s6, $0xb8;
	[tilespmem:$0x1C800] =	vst v63  }
.Ltmp4:
0x1e7: {  	s25 =	sadd.s32 s7, s8;
	(pc) =	sbr.rel @p0 .LBB2_2-.Ltmp4, $4  }
0x1e8: {  	s0 =	sadd.s32 $0xFFFF8000, s0;
	s1 =	sadd.s32 $0x200, s1;
	s5 =	sshll.u32 s25, $0x3  }
0x1e9: {  	s28 =	sadd.s32 $0x8000, s28;
	s29 =	sadd.s32 $0x200, s29;
	s5 =	sand.u32 $0x1FFFFC00, s5  }
0x1ea: {  	s30 =	sadd.s32 $0x200, s30;
	s31 =	sadd.s32 $0x200, s31;
	s5 =	sadd.s32 s2, s5  }
0x1eb: {  	[hbm4b:s5+s3] =	stream.linear.scatter [tilespmem:s21], [sflag:$0x8], $0x2000, $0x38;
	[tilespmem:$0x1C800] =	vst v63  }
0x1ec: {  	s0 =	simm.s32 $0x5  }
0x1ed: {  	_ =	swait.ge [sflag:s0], $0x2000  }
0x1ee: {  	[sflag:s0] =	ssyncset.done $0x0  }
0x1ef: {  	s29 =	simm.s32 $0x6;
	[sflag:s0] =	ssyncadd.s32 $0xFFFFE000  }
0x1f0: {  	_ =	swait.ge [sflag:s29], $0x2000  }
0x1f1: {  	[sflag:s29] =	ssyncset.done $0x0  }
0x1f2: {  	s30 =	simm.s32 $0x7;
	[sflag:s29] =	ssyncadd.s32 $0xFFFFE000  }
0x1f3: {  	_ =	swait.ge [sflag:s30], $0x2000  }
0x1f4: {  	[sflag:s30] =	ssyncset.done $0x0  }
0x1f5: {  	s1 =	simm.s32 $0x8;
	[sflag:s30] =	ssyncadd.s32 $0xFFFFE000  }
0x1f6: {  	_ =	swait.ge [sflag:s1], $0x2000  }
0x1f7: {  	s26 =	sadd.s32 $0x1, s26;
	s31 =	rddreg [dreg:$0x5]  }
0x1f8: {  	p0 =	sne.s32 s26, s31  }
.Ltmp5:
0x1f9: {  	_ = 	snop;
	(pc) =	sbr.rel @p0 .LBB2_1-.Ltmp5, $3  }
0x1fa: {  	_ =	sdelay $0x1  }
0x1fb: {  	[sflag:s1] =	ssyncset.done $0x0  }
0x1fc: {  	[sflag:s1] =	ssyncadd.s32 $0xFFFFE000  }
0x1fd: {  	_ =	sfence.sel $0x180000  }
0x1fe: {  	[bflag:$0x0] =	sbarrier.arrive $0xFFFF  }
0x1ff: {  	_ =	strace $0x90000047  }
0x200: {  	s0 =	stileid.u32;
	[bflag:$0x2] =	sbarrier.arrive $0xFFFF  }
0x201: {  	p0 =	sne.s32 s0, $0x0;
	s0 =	rddreg [dreg:$0x2]  }
0x202: {  	s0 =	sadd.s32 @!p0 $0x100000, s0  }
0x203: {  	[sflag:s0] =	ssyncadd.tile.s32 @!p0 $0x1;
	_ =	shalt  }
.Lfunc_end2:
_tile_overlayer_lowered:
.L_overlay_start_2:
0x204: {  	(tag) =	ssettag $0x2  }
0x205: {  	s0 =	rddreg [dreg:$0x0];
	s2 =	stileid.u32  }
0x206: {  	s1 =	rddreg [dreg:$0x1];
	p0 =	sne.s32 s2, $0x0  }
0x207: {  	s3 =	rddreg [dreg:$0x2];
	[bflag:$0x3] =	sbarrier.arrive $0xFFFF;
	s2 =	simm.s32 @!p0 $0x1C09  }
0x208: {  	[timem:s3], [sflag:s2] =	dma.local @!p0 [hbm:s0], s1  }
0x209: {  	s0 =	simm.s32 @!p0 $0x9  }
0x20a: {  	_ =	swait.ge @!p0 [sflag:s0], s1  }
0x20b: {  	s1 =	ssub.s32 @!p0 $0x0, s1;
	[sflag:s0] =	ssyncset.done @!p0 $0x0  }
0x20c: {  	[sflag:s0] =	ssyncadd.s32 @!p0 s1  }
0x20d: {  	[bflag:$0x3] =	sbarrier.arrive $0xFFFF  }
0x20e: {  	_ =	shalt  }

// kernel: sparse-core-data-format-call.cloned.1.call-start
scs
called_computation_lowered:
.L_overlay_start_0:
0x0: {  	s2 =	sld [smem:$0x3FD9]  }
0x1: {  	s3 =	sld [smem:$0x3FFE];
	_ =	sdelay $0x1  }
0x2: {  	s1 =	srdreg.scid  }
0x3: {  	s0 =	sand.u32 $0x1, s1  }
0x4: {  	s18 =	sshll.u32 s0, $0xA;
	s2 =	sadd.s32 s3, s2  }
0x5: {  	s2 =	sadd.s32 s2, s18  }
0x6: {  	[smem:$0x3FC6] =	sst s2  }
0x7: {  	_ = 	snop  }
0x8: {  	s2 =	sld [smem:$0x3FD0];
	(tm) =	ssettm $0x1  }
0x9: {  	s19 =	sld [smem:$0x3FFB];
	_ =	sdelay $0x3  }
0xa: {  	_ =	strace s19  }
0xb: {  	s3 =	sld [smem:$0x3FFC];
	_ =	sdelay $0x3  }
0xc: {  	_ =	strace s3  }
0xd: {  	s3 =	sld [smem:$0x3FFD];
	_ =	sdelay $0x3  }
0xe: {  	_ =	strace s3  }
0xf: {  	_ =	strace $0x8FFFFFFF  }
0x10: {  	s20 =	sld [smem:$0x3FDB];
	_ =	sdelay $0x1  }
0x11: {  	s4 =	simm.s32 $_scs_section_size  }
0x12: {  	s5 =	simm.s32 $_size__tile_overlayer_lowered;
	s6 =	simm.s32 $_tile_overlayer_lowered  }
0x13: {  	s23 =	simm.s32 $0x1BFF;
	s22 =	sshll.u32 s6, $0x1;
	s3 =	sadd.s32 s4, s20  }
0x14: {  	s7 =	simm.s32 $0x0;
	s21 =	sshll.u32 s5, $0x1;
	s5 =	sadd.s32 s22, s3  }
0x15: {  	[timem:s7], [sflag:s23] =	dma.local [hbm:s5], s21  }
0x16: {  	_ =	swait.ge [sflag:s23], s21  }
0x17: {  	s4 =	ssub.s32 $0x0, s21;
	[sflag:s23] =	ssyncset.done $0x0  }
0x18: {  	[sflag:s23] =	ssyncadd.s32 s4;
	_ =	sdelay $0x1  }
0x19: {  	s24 =	simm.s32 $0x1B8B  }
0x1a: {  	_ =	swait.ge [sflag:s24], $0x1  }
0x1b: {  	[sflag:s24] =	ssyncset.done $0x0  }
0x1c: {  	s26 =	simm.s32 $0x1B8E;
	s25 =	sld [smem:$0x3FFE];
	[sflag:s24] =	ssyncadd.s32 $0xFFFFFFFF  }
0x1d: {  	s27 =	simm.s32 $execute0_lowered;
	[smem:$0x3FD2] =	sst s26  }
0x1e: {  	s5 =	sshll.u32 s27, $0x1;
	_ =	strace $0x80000049;
	[dreg:$0x1] =	wrdreg $0xFFFFFFFF  }
0x1f: {  	s28 =	simm.s32 $_size_execute0_lowered;
	s3 =	sadd.s32 s3, s5;
	[dreg:$0x0] =	wrdreg $0x0  }
0x20: {  	s5 =	sshll.u32 s28, $0x1;
	[dreg:$0x2] =	wrdreg s3  }
0x21: {  	[dreg:$0x3] =	wrdreg s5  }
0x22: {  	[dreg:$0x4] =	wrdreg $0xC0  }
0x23: {  	_ =	task [dreg:s7], $0x5FFFF  }
0x24: {  	[dreg:$0x1] =	wrdreg $0xFFFFFFFF  }
0x25: {  	[dreg:$0x0] =	wrdreg $0x60  }
0x26: {  	[dreg:$0x2] =	wrdreg s25  }
0x27: {  	[dreg:$0x3] =	wrdreg s2  }
0x28: {  	[dreg:$0x4] =	wrdreg $0x9  }
0x29: {  	_ =	task.clear_ibuf [dreg:s7], $0x5FFFF;
	_ =	strace $0x90000049  }
0x2a: {  	s29 =	simm.s32 $0x9;
	_ =	strace $0x8000004B  }
0x2b: {  	_ =	swait.ge [sflag:s29], $0x1  }
0x2c: {  	[sflag:s29] =	ssyncadd.s32 $0xFFFFFFFF  }
0x2d: {  	_ =	strace $0x9000004B  }
0x2e: {  	_ =	sfence  }
0x2f: {  	s30 =	sld [smem:$0x0];
	_ =	sdelay $0x2  }
0x30: {  	s31 =	sshll.u32 s1, $0xD;
	s1 =	sshrl.u32 s1, $0x2  }
0x31: {  	s3 =	sand.u32 $0x4000, s31;
	s1 =	sadd.s32 s1, s30  }
0x32: {  	s0 =	sor.u32 s3, s0;
	s1 =	sshll.u32 s1, $0x11  }
0x33: {  	s0 =	sor.u32 s1, s0  }
0x34: {  	s0 =	sadd.s32 $0x8F2B, s0  }
0x35: {  	[sflag:s0] =	ssyncadd.remote.s32 $0x1  }
0x36: {  	_ =	sfence.sel $0xFFFF  }
0x37: {  	[dreg:$0x0] =	wrdreg $0xFFFFFFFF;
	(pc) =	sbr.abs _section_cstart, $3  }
0x38: {  	[dreg:$0x1] =	wrdreg $0xFFFFFFFF  }
0x39: {  	_ =	task.clear_ibuf [dreg:s7], $0x2FFFF;
	_ =	strace $0x9FFFFFFF  }
0x3a: {  	(tm) =	ssettm $0x7FFFFFFF  }
0x3b: {  	_ =	shalt  }
tec
execute0_lowered:
.L_overlay_start_1:
0x0: {  	(tag) =	ssettag $0x1  }
0x1: {  	s0 =	srdreg.scid  }
0x2: {  	s1 =	sshll.u32 s0, $0x4  }
0x3: {  	s0 =	stileid.u32;
	s1 =	sand.u32 $0x10, s1  }
0x4: {  	s1 =	sor.u32 s0, s1  }
0x5: {  	s6 =	rddreg [dreg:$0x0];
	s4 =	simm.s32 $0x1;
	s2 =	sshll.u32 s1, $0x7  }
0x6: {  	s7 =	simm.s32 $0x2;
	s12 =	simm.s32 $0x0;
	s1 =	ssub.s32 $0x1000, s2  }
0x7: {  	s8 =	simm.s32 $0x8000;
	s13 =	simm.s32 $0x0;
	s3 =	sand.u32 $0xF80, s1  }
0x8: {  	s9 =	simm.s32 $0x0;
	s5 =	sshrl.u32 s1, $0xC;
	p0 =	sne.s32 s3, $0x0  }
.Ltmp0:
0x9: {  	s1 =	rddreg [dreg:$0x2];
	s4 =	simm.s32 @!p0 $0x0;
	(pc) =	sbr.rel .LBB1_1-.Ltmp0, $4  }
0xa: {  	s11 =	simm.s32 $0x0;
	s3 =	rddreg [dreg:$0x1];
	s5 =	sadd.s32 s4, s5  }
0xb: {  	_ =	strace $0x8000004A;
	s4 =	simm.s32 $0x1;
	s5 =	smul.u32 $0xC8, s5  }
0xc: {  	s6 =	sadd.s32 $0xC00, s6;
	s10 =	smov.u32 s2;
	[sflag:s4] =	ssyncpa.u1 $0x0  }
0xd: {  	p0 =	por $0x0, $0x0;
	[sflag:s7] =	ssyncpa.u1 $0x0;
	s7 =	sor.u32 $0x1, s5  }
.LBB1_4:
0xe: {  	s16 =	sshll.u32 s13, $0x3;
	s17 =	sand.u32 $0x78, s13  }
0xf: {  	s30 =	sand.u32 $0x7E00, s13;
	s12 =	sshll.u32 s12, $0xF;
	s16 =	sand.u32 $0xC00, s16  }
0x10: {  	[tilespmem:s15+$0x810 ss:$0x81] =	vst.msk $0xffff, v2;
	s31 =	sand.u32 $0x7, s13;
	s16 =	sor.u32 s17, s16;
	s17 =	sadd.s32 s3, s30  }
0x11: {  	[tilespmem:s15+$0x1020 ss:$0x81] =	vst.msk $0xffff, v0;
	s13 =	sshll.u32 s31, $0x12;
	s12 =	sadd.s32 s12, s17;
	s16 =	sshrl.u32 s16, $0x3  }
0x12: {  	[tilespmem:s15+$0x0 ss:$0x81] =	vst.msk $0xffff, v1;
	s13 =	sor.u32 $0x400, s13;
	s12 =	sadd.s32 s16, s12  }
0x13: {  	[hbm4b:s12+s13] =	stream.strided.scatter [tilespmem:s14], [sflag:$0x2], $0x2000, s8, s13, $0x20;
	[tilespmem:$0x8080] =	vst v63  }
.LBB1_5:
0x14: {  	s14 =	sadd.s32 $0x1, s9  }
0x15: {  	s12 =	sadd.s32 $0x1000, s10;
	s16 =	smov.u32 s10;
	p2 =	sgt.s32 s14, $0xC7  }
0x16: {  	s16 =	smov.u32 @p2 s12  }
0x17: {  	s14 =	simm.s32 @p2 $0x0;
	p2 =	sgt.s32 s16, $0xFFF  }
0x18: {  	s16 =	smov.u32 @p2 s2;
	p2 =	sne.s32 s11, s7  }
.Ltmp1:
0x19: {  	p1 =	slt.u32 s11, $0x2;
	(pc) =	sbr.rel @!p2 .LBB1_6-.Ltmp1, $4  }
0x1a: {  	s15 =	simm.s32 @!p1 $0x2  }
0x1b: {  	s13 =	smov.u32 s10;
	p0 =	por !p0, !p0;
	_ =	swait.ge @!p1 [sflag:s15], $0x2000  }
0x1c: {  	s12 =	smov.u32 s9;
	[sflag:s15] =	ssyncset.done @!p1 $0x0;
	s9 =	smov.u32 s14  }
0x1d: {  	s11 =	sadd.s32 $0x1, s11;
	[sflag:s15] =	ssyncadd.s32 @!p1 $0xFFFFE000;
	s10 =	smov.u32 s16  }
.LBB1_1:
0x1e: {  	p1 =	sge.u32 s11, s5  }
0x1f: {  	s14 =	sand.u32 @!p1 $0x1FFFFFF, s9  }
0x20: {  	s15 =	smulhi.u32 @!p1 $0x147AE15, s14;
	_ =	sdelay $0x1  }
0x21: {  	s15 =	smul.u32 @!p1 $0xC8, s15  }
0x22: {  	s16 =	sxor.u32 @!p1 $0xFFFFFFFF, s11;
	s17 =	smul.u32 @!p1 $0xC80, s10  }
0x23: {  	s31 =	sadd.s32 $0xFFFFFFFF, s11;
	s16 =	sshll.u32 @!p1 s16, $0xD;
	s14 =	ssub.s32 @!p1 s14, s15  }
0x24: {  	s15 =	sand.u32 @!p1 $0x2000, s16;
	s16 =	sadd.s32 @!p1 s6, s17;
	s14 =	sshll.u32 @!p1 s14, $0x4  }
0x25: {  	s17 =	simm.s32 @!p1 $0x6400;
	s14 =	sadd.s32 @!p1 s14, s16;
	s16 =	simm.s32 @!p1 $0x40  }
0x26: {  	[tilespmem:s15], [sflag:$0x1] =	stream.strided.gather @!p1 [hbm4b:s14+s16], $0x2000, s17, s16, $0x38;
	[tilespmem:$0x8080] =	vst v63  }
0x27: {  	p1 =	sge.u32 s31, s5  }
.Ltmp2:
0x28: {  	_ = 	snop;
	(pc) =	sbr.rel @p1 .LBB1_5-.Ltmp2, $1  }
0x29: {  	_ =	sdelay $0x3  }
0x2a: {  	s14 =	simm.s32 $0x1  }
0x2b: {  	_ =	swait.ge [sflag:s4], $0x2000;
	s14 =	simm.s32 @!p0 $0x0  }
0x2c: {  	[sflag:s4] =	ssyncset.done $0x0;
	s15 =	sshll.u32 s14, $0xD  }
0x2d: {  	[sflag:s4] =	ssyncadd.s32 $0xFFFFE000;
	s18 =	sor.u32 $0x20, s15  }
0x2e: {  	s14 =	smul.u32 $0x8100, s14;
	v3 =	vld [tilespmem:s18+$0x10]  }
0x2f: {  	s30 =	sand.u32 $0x1, s11;
	v2 =	vld [tilespmem:s18+$0xFFFFFFF0]  }
0x30: {  	s15 =	smul.u32 $0x8100, s30;
	s14 =	sshrl.u32 s14, $0x2;
	v0 =	vld [tilespmem:s18+$0x0]  }
0x31: {  	v1 =	vld [tilespmem:s18+$0xFFFFFFE0];
	s16 =	sor.u32 $0x4000, s14  }
0x32: {  	s31 =	sshrl.u32 s15, $0x2;
	s15 =	sadd.s32 $0x0, s16  }
0x33: {  	s17 =	simm.s32 $0x4;
	s18 =	sadd.s32 $0x40, s18;
	s14 =	sor.u32 $0x4000, s31;
	[tilespmem:s15+$0x1830 ss:$0x81] =	vst.msk $0xffff, v3  }
.LBB1_3:
0x34: {  	v3 =	vld [tilespmem:s18+$0x10];
	p1 =	sne.s32 s17, $0x1FC;
	[tilespmem:s15+$0x810 ss:$0x81] =	vst.msk $0xffff, v2;
	s19 =	smov.u32 s17;
	s17 =	sadd.s32 $0x4, s17  }
.Ltmp3:
0x35: {  	v2 =	vld [tilespmem:s18+$0xFFFFFFF0];
	[tilespmem:s15+$0x1020 ss:$0x81] =	vst.msk $0xffff, v0;
	(pc) =	sbr.rel @p1 .LBB1_3-.Ltmp3, $4  }
0x36: {  	v0 =	vld [tilespmem:s18+$0x0];
	[tilespmem:s15+$0x0 ss:$0x81] =	vst.msk $0xffff, v1  }
0x37: {  	s15 =	sshra.s32 s19, $0x2;
	v1 =	vld [tilespmem:s18+$0xFFFFFFE0]  }
0x38: {  	s15 =	sadd.s32 s15, s16  }
0x39: {  	s18 =	sadd.s32 $0x40, s18;
	[tilespmem:s15+$0x1830 ss:$0x81] =	vst.msk $0xffff, v3  }
.Ltmp4:
0x3a: {  	_ = 	snop;
	(pc) =	sbr.rel .LBB1_4-.Ltmp4, $1  }
0x3b: {  	_ =	sdelay $0x3  }
.LBB1_6:
0x3c: {  	_ =	sfence.sel $0x180000  }
0x3d: {  	s2 =	simm.s32 $0x1;
	[bflag:$0x0] =	sbarrier.arrive $0xFFFF  }
0x3e: {  	s31 =	simm.s32 $0x2;
	[sflag:s2] =	ssyncpa.u1 $0x1  }
0x3f: {  	[sflag:s31] =	ssyncpa.u1 $0x1  }
0x40: {  	p0 =	sne.s32 s0, $0x0;
	_ =	strace $0x9000004A  }
0x41: {  	s0 =	sadd.s32 @!p0 $0x100000, s1;
	[bflag:$0x2] =	sbarrier.arrive $0xFFFF  }
0x42: {  	[sflag:s0] =	ssyncadd.tile.s32 @!p0 $0x1;
	_ =	shalt  }
.Lfunc_end1:
_tile_overlayer_lowered:
.L_overlay_start_2:
0x43: {  	(tag) =	ssettag $0x2  }
0x44: {  	s0 =	rddreg [dreg:$0x0];
	s2 =	stileid.u32  }
0x45: {  	s1 =	rddreg [dreg:$0x1];
	p0 =	sne.s32 s2, $0x0  }
0x46: {  	s3 =	rddreg [dreg:$0x2];
	[bflag:$0x3] =	sbarrier.arrive $0xFFFF;
	s2 =	simm.s32 @!p0 $0x1C01  }
0x47: {  	[timem:s3], [sflag:s2] =	dma.local @!p0 [hbm:s0], s1  }
0x48: {  	s0 =	simm.s32 @!p0 $0x1  }
0x49: {  	_ =	swait.ge @!p0 [sflag:s0], s1  }
0x4a: {  	s1 =	ssub.s32 @!p0 $0x0, s1;
	[sflag:s0] =	ssyncset.done @!p0 $0x0  }
0x4b: {  	[sflag:s0] =	ssyncadd.s32 @!p0 s1  }
0x4c: {  	[bflag:$0x3] =	sbarrier.arrive $0xFFFF  }
0x4d: {  	_ =	shalt  }

</sc_bundles>
